<compile_context>
chip_gen: v7x
topology: tpu7x:2x2x1
jax: 0.10.2.dev20260603
libtpu: 0.0.44.dev20260713+nightly
codegen_flags: <defaults>
</compile_context>

<pallas_src>
import functools

import jax
import jax.numpy as jnp
from jax import lax
from jax.experimental import pallas as pl
from jax.experimental.pallas import tpu as pltpu
from jax.experimental.pallas import tpu_sc as plsc

_THRESH = 0.5
_MAX_BOX = 100
_SCORE_THRESH = 0.05
_NEG = -1e9
_LOW = -3.0e38

_NS = 16
_L = 16
_NPAD = 20480
_PER = _NPAD // _NS
_SLICES = _PER // _L
_UNROLL = 4


def _sc_body(x1_h, y1_h, x2_h, y2_h, sc_h, out_h, ex_h,
             x1v, y1v, x2v, y2v, swv, pubv, candv, outv):
    sid = lax.axis_index("s")
    base = sid * _PER
    li = lax.iota(jnp.int32, _L)

    pltpu.sync_copy(x1_h.at[pl.ds(base, _PER)], x1v)
    pltpu.sync_copy(y1_h.at[pl.ds(base, _PER)], y1v)
    pltpu.sync_copy(x2_h.at[pl.ds(base, _PER)], x2v)
    pltpu.sync_copy(y2_h.at[pl.ds(base, _PER)], y2v)
    pltpu.sync_copy(sc_h.at[pl.ds(base, _PER)], swv)

    def init_slice(j, carry):
        vmax, vidx = carry
        sl = pl.ds(j * _L, _L)
        sws = swv[sl]
        gi = jnp.full((_L,), base + j * _L, jnp.int32) + li
        m = sws > vmax
        return jnp.where(m, sws, vmax), jnp.where(m, gi, vidx)

    carry0 = (jnp.full((_L,), _LOW, jnp.float32), jnp.zeros((_L,), jnp.int32))
    vmax, vidx = lax.fori_loop(0, _SLICES, init_slice, carry0,
                               unroll=_UNROLL)

    def round_fn(r, carry):
        vmax, vidx = carry
        sk, _ = plsc.sort_key_val(vmax, vidx, descending=True)
        mx = sk[0]
        cand_i = jnp.where(vmax == mx, vidx, jnp.int32(2147483647))
        si, _ = plsc.sort_key_val(cand_i, vidx)
        lidx = si[0]
        offv = jnp.full((_L,), lidx - base, jnp.int32)
        gx1 = plsc.load_gather(x1v, [offv])
        gy1 = plsc.load_gather(y1v, [offv])
        gx2 = plsc.load_gather(x2v, [offv])
        gy2 = plsc.load_gather(y2v, [offv])
        pub = jnp.where(li == 0, jnp.full((_L,), mx),
              jnp.where(li == 1, jnp.full((_L,), lidx.astype(jnp.float32)),
              jnp.where(li == 2, gx1,
              jnp.where(li == 3, gy1,
              jnp.where(li == 4, gx2, gy2)))))
        pubv[...] = pub
        bank = lax.rem(r, 2)
        pltpu.sync_copy(pubv, ex_h.at[bank, sid])
        plsc.subcore_barrier()
        pltpu.sync_copy(ex_h.at[bank], candv)

        bs = jnp.float32(_LOW)
        wrow = candv[0, :]
        for j in range(_NS):
            row = candv[j, :]
            v = row[0]
            better = v > bs
            bs = jnp.where(better, v, bs)
            wrow = jnp.where(better, row, wrow)
        bidx = wrow[1].astype(jnp.int32)
        wx1 = wrow[2]
        wy1 = wrow[3]
        wx2 = wrow[4]
        wy2 = wrow[5]

        @pl.when(sid == 0)
        def _():
            outv[r, :] = wrow

        area_b = (wx2 - wx1) * (wy2 - wy1)
        wx1v = jnp.full((_L,), wx1)
        wy1v = jnp.full((_L,), wy1)
        wx2v = jnp.full((_L,), wx2)
        wy2v = jnp.full((_L,), wy2)
        abv = jnp.full((_L,), area_b)
        bidxv = jnp.full((_L,), bidx, jnp.int32)

        def dec_slice(j, c):
            nvmax, nvidx = c
            sl = pl.ds(j * _L, _L)
            sws = swv[sl]
            xs1 = x1v[sl]
            ys1 = y1v[sl]
            xs2 = x2v[sl]
            ys2 = y2v[sl]
            ars = (xs2 - xs1) * (ys2 - ys1)
            iw = jnp.maximum(jnp.minimum(wx2v, xs2) - jnp.maximum(wx1v, xs1), 0.0)
            ih = jnp.maximum(jnp.minimum(wy2v, ys2) - jnp.maximum(wy1v, ys1), 0.0)
            inter = iw * ih
            iou = inter / jnp.maximum(abv + ars - inter, 1e-9)
            dec = jnp.where(iou > _THRESH, 1.0 - iou, 1.0)
            gi = jnp.full((_L,), base + j * _L, jnp.int32) + li
            nsw = jnp.where(gi == bidxv, _NEG, sws * dec)
            swv[sl] = nsw
            m = nsw > nvmax
            return jnp.where(m, nsw, nvmax), jnp.where(m, gi, nvidx)

        return lax.fori_loop(0, _SLICES, dec_slice, carry0, unroll=_UNROLL)

    lax.fori_loop(0, _MAX_BOX, round_fn, (vmax, vidx))

    @pl.when(sid == 0)
    def _():
        pltpu.sync_copy(outv, out_h)


_sc_kernel = functools.partial(
    pl.kernel,
    mesh=plsc.VectorSubcoreMesh(core_axis_name="c", subcore_axis_name="s",
                                num_cores=1),
    compiler_params=pltpu.CompilerParams(needs_layout_passes=False),
    out_type=(jax.ShapeDtypeStruct((_MAX_BOX, _L), jnp.float32),
              jax.ShapeDtypeStruct((2, _NS, _L), jnp.float32)),
    scratch_types=[
        pltpu.VMEM((_PER,), jnp.float32),
        pltpu.VMEM((_PER,), jnp.float32),
        pltpu.VMEM((_PER,), jnp.float32),
        pltpu.VMEM((_PER,), jnp.float32),
        pltpu.VMEM((_PER,), jnp.float32),
        pltpu.VMEM((_L,), jnp.float32),
        pltpu.VMEM((_NS, _L), jnp.float32),
        pltpu.VMEM((_MAX_BOX, _L), jnp.float32),
    ],
)(_sc_body)


def kernel(boxes, scores):
    n = scores.shape[0]
    boxes = boxes.astype(jnp.float32)
    pad = _NPAD - n
    x1 = jnp.pad(boxes[:, 0], (0, pad))
    y1 = jnp.pad(boxes[:, 1], (0, pad))
    x2 = jnp.pad(boxes[:, 2], (0, pad))
    y2 = jnp.pad(boxes[:, 3], (0, pad))
    sc = jnp.pad(scores.astype(jnp.float32), (0, pad), constant_values=_NEG)
    out, _ = _sc_kernel(x1, y1, x2, y2, sc)
    s = out[:, 0]
    valid = (s >= _SCORE_THRESH).astype(boxes.dtype)
    kept_boxes = out[:, 2:6] * valid[:, None]
    kept_scores = s * valid
    return jnp.concatenate([kept_boxes, kept_scores[:, None]], axis=1)

# --- scband reference (transcript-rebuilt; emitter-appended) ---
"""Pipeline reference for scband-box-list-soft-nms-49658411876612 (READ-ONLY COPY).

The authoritative reference and input builder live on the scoring server;
editing this copy changes nothing except your own understanding.
"""

import jax, jax.numpy as jnp
import numpy as np

THRESH = 0.5          # soft-NMS IoU threshold (linear decay applied above this)
MAX_BOX = 100         # max_proposals
SCORE_THRESH = 0.05   # boxes whose selected score falls below this are dropped
N = 20000


def setup_inputs(seed: int = 0) -> dict:
    key = jax.random.key(seed)
    k1, k2, k3 = jax.random.split(key, 3)
    xy = jax.random.uniform(k1, (N, 2), minval=0.0, maxval=1024.0)
    wh = jax.random.uniform(k2, (N, 2), minval=1.0, maxval=64.0)
    boxes = jnp.concatenate([xy, xy + wh], axis=1)  # valid xyxy boxes
    scores = jax.random.uniform(k3, (N,), minval=0.0, maxval=1.0)
    return {"boxes": boxes, "scores": scores}


def _iou_one_vs_all(box, boxes):
    x1 = jnp.maximum(box[0], boxes[:, 0])
    y1 = jnp.maximum(box[1], boxes[:, 1])
    x2 = jnp.minimum(box[2], boxes[:, 2])
    y2 = jnp.minimum(box[3], boxes[:, 3])
    iw = jnp.clip(x2 - x1, 0.0)
    ih = jnp.clip(y2 - y1, 0.0)
    inter = iw * ih
    area_b = (box[2] - box[0]) * (box[3] - box[1])
    areas = (boxes[:, 2] - boxes[:, 0]) * (boxes[:, 3] - boxes[:, 1])
    union = area_b + areas - inter
    return inter / jnp.maximum(union, 1e-9)


def reference(boxes, scores):
    # Linear soft-NMS (Bodla et al.): iteratively pick the highest-score box,
    # decay scores of boxes with IoU > THRESH by (1 - IoU), up to MAX_BOX picks.
    n = scores.shape[0]

    def step(carry, _):
        sw, alive = carry
        masked = jnp.where(alive, sw, -1e9)
        m = jnp.argmax(masked)
        s = masked[m]
        ious = _iou_one_vs_all(boxes[m], boxes)
        decay = jnp.where(ious > THRESH, 1.0 - ious, 1.0)
        sw = sw * decay
        alive = alive.at[m].set(False)
        return (sw, alive), (m, s)

    alive0 = jnp.ones((n,), dtype=bool)
    (_, _), (idxs, sel_scores) = jax.lax.scan(step, (scores, alive0), None, length=MAX_BOX)
    valid = (sel_scores >= SCORE_THRESH).astype(boxes.dtype)
    kept_boxes = jnp.take(boxes, idxs, axis=0) * valid[:, None]
    kept_scores = sel_scores * valid
    return jnp.concatenate([kept_boxes, kept_scores[:, None]], axis=1)  # [MAX_BOX, 5]

if __name__ == "__main__":
    import jax
    _d = setup_inputs()
    print(jax.jit(kernel)(*tuple(_d.values())))

</pallas_src>

<mosaic_0001>
#map = affine_map<(d0, d1) -> (0)>
#map1 = affine_map<(d0, d1) -> (0, 0)>
#map2 = affine_map<(d0, d1) -> (0, 0, 0)>
module attributes {stable_mosaic.version = 14 : i64} {
  func.func @_sc_body(%arg0: i32, %arg1: i32, %arg2: memref<20480xf32, #tpu.memory_space<hbm>>, %arg3: memref<20480xf32, #tpu.memory_space<hbm>>, %arg4: memref<20480xf32, #tpu.memory_space<hbm>>, %arg5: memref<20480xf32, #tpu.memory_space<hbm>>, %arg6: memref<20480xf32, #tpu.memory_space<hbm>>, %arg7: memref<100x16xf32, #tpu.memory_space<hbm>>, %arg8: memref<2x16x16xf32, #tpu.memory_space<hbm>>, %arg9: memref<1280xf32, #tpu.memory_space<vmem>>, %arg10: memref<1280xf32, #tpu.memory_space<vmem>>, %arg11: memref<1280xf32, #tpu.memory_space<vmem>>, %arg12: memref<1280xf32, #tpu.memory_space<vmem>>, %arg13: memref<1280xf32, #tpu.memory_space<vmem>>, %arg14: memref<16xf32, #tpu.memory_space<vmem>>, %arg15: memref<16x16xf32, #tpu.memory_space<vmem>>, %arg16: memref<100x16xf32, #tpu.memory_space<vmem>>) attributes {dimension_semantics = [#tpu.dimension_semantics<core_parallel>, #tpu.dimension_semantics<subcore_parallel>], iteration_bounds = array<i64: 1, 16>, scalar_prefetch = 0 : i64, scratch_operands = 8 : i64, tpu.core_type = #tpu.core_type<sc_vector_subcore>, window_params = [{transform_indices = #map}, {transform_indices = #map}, {transform_indices = #map}, {transform_indices = #map}, {transform_indices = #map}, {transform_indices = #map1}, {transform_indices = #map2}]} {
    %mul3A = arith.constant 1280 : i32
    %mul3A_0 = arith.muli %arg1, %mul3A : i32
    %iota3A = tpu.iota {dimensions = array<i32: 0>} : vector<16xi32>
    "tpu.region"() ({
      %run_scoped3A = tpu.sem_alloc : memref<!tpu.dma_semaphore, #tpu.memory_space<semaphore_mem>>
      %dma_start3A = tpu.memref_slice %arg2[%mul3A_0] : memref<20480xf32, #tpu.memory_space<hbm>> -> memref<1280xf32, #tpu.memory_space<hbm>>
      %dma_start3A_17 = tpu.memref_slice %arg2[%mul3A_0] : memref<20480xf32, #tpu.memory_space<hbm>> -> memref<1280xf32, #tpu.memory_space<hbm>>
      tpu.enqueue_dma source(%dma_start3A_17 : memref<1280xf32, #tpu.memory_space<hbm>>) target(%arg9 : memref<1280xf32, #tpu.memory_space<vmem>>) target_semaphore(%run_scoped3A : memref<!tpu.dma_semaphore, #tpu.memory_space<semaphore_mem>>)
      %dma_wait3A = tpu.memref_slice %arg2[%mul3A_0] : memref<20480xf32, #tpu.memory_space<hbm>> -> memref<1280xf32, #tpu.memory_space<hbm>>
      %dma_wait3A_18 = tpu.memref_slice %arg2[%mul3A_0] : memref<20480xf32, #tpu.memory_space<hbm>> -> memref<1280xf32, #tpu.memory_space<hbm>>
      tpu.wait_dma2 semaphore(%run_scoped3A : memref<!tpu.dma_semaphore, #tpu.memory_space<semaphore_mem>>) src(%dma_wait3A_18 : memref<1280xf32, #tpu.memory_space<hbm>>) dst(%arg9 : memref<1280xf32, #tpu.memory_space<vmem>>)
      tpu.yield
    }) : () -> ()
    "tpu.region"() ({
      %run_scoped3A = tpu.sem_alloc : memref<!tpu.dma_semaphore, #tpu.memory_space<semaphore_mem>>
      %dma_start3A = tpu.memref_slice %arg3[%mul3A_0] : memref<20480xf32, #tpu.memory_space<hbm>> -> memref<1280xf32, #tpu.memory_space<hbm>>
      %dma_start3A_17 = tpu.memref_slice %arg3[%mul3A_0] : memref<20480xf32, #tpu.memory_space<hbm>> -> memref<1280xf32, #tpu.memory_space<hbm>>
      tpu.enqueue_dma source(%dma_start3A_17 : memref<1280xf32, #tpu.memory_space<hbm>>) target(%arg10 : memref<1280xf32, #tpu.memory_space<vmem>>) target_semaphore(%run_scoped3A : memref<!tpu.dma_semaphore, #tpu.memory_space<semaphore_mem>>)
      %dma_wait3A = tpu.memref_slice %arg3[%mul3A_0] : memref<20480xf32, #tpu.memory_space<hbm>> -> memref<1280xf32, #tpu.memory_space<hbm>>
      %dma_wait3A_18 = tpu.memref_slice %arg3[%mul3A_0] : memref<20480xf32, #tpu.memory_space<hbm>> -> memref<1280xf32, #tpu.memory_space<hbm>>
      tpu.wait_dma2 semaphore(%run_scoped3A : memref<!tpu.dma_semaphore, #tpu.memory_space<semaphore_mem>>) src(%dma_wait3A_18 : memref<1280xf32, #tpu.memory_space<hbm>>) dst(%arg10 : memref<1280xf32, #tpu.memory_space<vmem>>)
      tpu.yield
    }) : () -> ()
    "tpu.region"() ({
      %run_scoped3A = tpu.sem_alloc : memref<!tpu.dma_semaphore, #tpu.memory_space<semaphore_mem>>
      %dma_start3A = tpu.memref_slice %arg4[%mul3A_0] : memref<20480xf32, #tpu.memory_space<hbm>> -> memref<1280xf32, #tpu.memory_space<hbm>>
      %dma_start3A_17 = tpu.memref_slice %arg4[%mul3A_0] : memref<20480xf32, #tpu.memory_space<hbm>> -> memref<1280xf32, #tpu.memory_space<hbm>>
      tpu.enqueue_dma source(%dma_start3A_17 : memref<1280xf32, #tpu.memory_space<hbm>>) target(%arg11 : memref<1280xf32, #tpu.memory_space<vmem>>) target_semaphore(%run_scoped3A : memref<!tpu.dma_semaphore, #tpu.memory_space<semaphore_mem>>)
      %dma_wait3A = tpu.memref_slice %arg4[%mul3A_0] : memref<20480xf32, #tpu.memory_space<hbm>> -> memref<1280xf32, #tpu.memory_space<hbm>>
      %dma_wait3A_18 = tpu.memref_slice %arg4[%mul3A_0] : memref<20480xf32, #tpu.memory_space<hbm>> -> memref<1280xf32, #tpu.memory_space<hbm>>
      tpu.wait_dma2 semaphore(%run_scoped3A : memref<!tpu.dma_semaphore, #tpu.memory_space<semaphore_mem>>) src(%dma_wait3A_18 : memref<1280xf32, #tpu.memory_space<hbm>>) dst(%arg11 : memref<1280xf32, #tpu.memory_space<vmem>>)
      tpu.yield
    }) : () -> ()
    "tpu.region"() ({
      %run_scoped3A = tpu.sem_alloc : memref<!tpu.dma_semaphore, #tpu.memory_space<semaphore_mem>>
      %dma_start3A = tpu.memref_slice %arg5[%mul3A_0] : memref<20480xf32, #tpu.memory_space<hbm>> -> memref<1280xf32, #tpu.memory_space<hbm>>
      %dma_start3A_17 = tpu.memref_slice %arg5[%mul3A_0] : memref<20480xf32, #tpu.memory_space<hbm>> -> memref<1280xf32, #tpu.memory_space<hbm>>
      tpu.enqueue_dma source(%dma_start3A_17 : memref<1280xf32, #tpu.memory_space<hbm>>) target(%arg12 : memref<1280xf32, #tpu.memory_space<vmem>>) target_semaphore(%run_scoped3A : memref<!tpu.dma_semaphore, #tpu.memory_space<semaphore_mem>>)
      %dma_wait3A = tpu.memref_slice %arg5[%mul3A_0] : memref<20480xf32, #tpu.memory_space<hbm>> -> memref<1280xf32, #tpu.memory_space<hbm>>
      %dma_wait3A_18 = tpu.memref_slice %arg5[%mul3A_0] : memref<20480xf32, #tpu.memory_space<hbm>> -> memref<1280xf32, #tpu.memory_space<hbm>>
      tpu.wait_dma2 semaphore(%run_scoped3A : memref<!tpu.dma_semaphore, #tpu.memory_space<semaphore_mem>>) src(%dma_wait3A_18 : memref<1280xf32, #tpu.memory_space<hbm>>) dst(%arg12 : memref<1280xf32, #tpu.memory_space<vmem>>)
      tpu.yield
    }) : () -> ()
    "tpu.region"() ({
      %run_scoped3A = tpu.sem_alloc : memref<!tpu.dma_semaphore, #tpu.memory_space<semaphore_mem>>
      %dma_start3A = tpu.memref_slice %arg6[%mul3A_0] : memref<20480xf32, #tpu.memory_space<hbm>> -> memref<1280xf32, #tpu.memory_space<hbm>>
      %dma_start3A_17 = tpu.memref_slice %arg6[%mul3A_0] : memref<20480xf32, #tpu.memory_space<hbm>> -> memref<1280xf32, #tpu.memory_space<hbm>>
      tpu.enqueue_dma source(%dma_start3A_17 : memref<1280xf32, #tpu.memory_space<hbm>>) target(%arg13 : memref<1280xf32, #tpu.memory_space<vmem>>) target_semaphore(%run_scoped3A : memref<!tpu.dma_semaphore, #tpu.memory_space<semaphore_mem>>)
      %dma_wait3A = tpu.memref_slice %arg6[%mul3A_0] : memref<20480xf32, #tpu.memory_space<hbm>> -> memref<1280xf32, #tpu.memory_space<hbm>>
      %dma_wait3A_18 = tpu.memref_slice %arg6[%mul3A_0] : memref<20480xf32, #tpu.memory_space<hbm>> -> memref<1280xf32, #tpu.memory_space<hbm>>
      tpu.wait_dma2 semaphore(%run_scoped3A : memref<!tpu.dma_semaphore, #tpu.memory_space<semaphore_mem>>) src(%dma_wait3A_18 : memref<1280xf32, #tpu.memory_space<hbm>>) dst(%arg13 : memref<1280xf32, #tpu.memory_space<vmem>>)
      tpu.yield
    }) : () -> ()
    %broadcast_in_dim3A = arith.constant -3.000000e+38 : f32
    %broadcast_in_dim3A_1 = vector.broadcast %broadcast_in_dim3A : f32 to vector<16xf32>
    %broadcast_in_dim3A_2 = arith.constant 0 : i32
    %broadcast_in_dim3A_3 = vector.broadcast %broadcast_in_dim3A_2 : i32 to vector<16xi32>
    %scan3A = arith.constant 0 : i32
    %scan3A_4 = arith.constant 80 : i32
    %scan3A_5 = arith.addi %scan3A, %scan3A_4 : i32
    %scan3A_6 = arith.constant 4 : i32
    %scan3A_7:2 = scf.for %scan3A_17 = %scan3A to %scan3A_5 step %scan3A_6 iter_args(%scan3A_18 = %broadcast_in_dim3A_1, %scan3A_19 = %broadcast_in_dim3A_3) -> (vector<16xf32>, vector<16xi32>)  : i32 {
      %mul3A_20 = arith.constant 16 : i32
      %mul3A_21 = arith.muli %scan3A_17, %mul3A_20 : i32
      %get3A = arith.index_cast %mul3A_21 : i32 to index
      %get3A_22 = tpu.vector_load %arg13[%get3A] {strides = array<i32>} : memref<1280xf32, #tpu.memory_space<vmem>>, vector<16xf32>,
      %mul3A_23 = arith.constant 16 : i32
      %mul3A_24 = arith.muli %scan3A_17, %mul3A_23 : i32
      %add3A = arith.addi %mul3A_0, %mul3A_24 : i32
      %broadcast_in_dim3A_25 = vector.broadcast %add3A : i32 to vector<16xi32>
      %add3A_26 = arith.addi %broadcast_in_dim3A_25, %iota3A : vector<16xi32>
      %gt3A = arith.cmpf ogt, %get3A_22, %scan3A_18 : vector<16xf32>
      %select_n3A = arith.select %gt3A, %get3A_22, %scan3A_18 : vector<16xi1>, vector<16xf32>
      %select_n3A_27 = arith.select %gt3A, %add3A_26, %scan3A_19 : vector<16xi1>, vector<16xi32>
      %scan3A_28 = arith.constant 1 : i32
      %scan3A_29 = arith.addi %scan3A_17, %scan3A_28 : i32
      %mul3A_30 = arith.constant 16 : i32
      %mul3A_31 = arith.muli %scan3A_29, %mul3A_30 : i32
      %get3A_32 = arith.index_cast %mul3A_31 : i32 to index
      %get3A_33 = tpu.vector_load %arg13[%get3A_32] {strides = array<i32>} : memref<1280xf32, #tpu.memory_space<vmem>>, vector<16xf32>,
      %mul3A_34 = arith.constant 16 : i32
      %mul3A_35 = arith.muli %scan3A_29, %mul3A_34 : i32
      %add3A_36 = arith.addi %mul3A_0, %mul3A_35 : i32
      %broadcast_in_dim3A_37 = vector.broadcast %add3A_36 : i32 to vector<16xi32>
      %add3A_38 = arith.addi %broadcast_in_dim3A_37, %iota3A : vector<16xi32>
      %gt3A_39 = arith.cmpf ogt, %get3A_33, %select_n3A : vector<16xf32>
      %select_n3A_40 = arith.select %gt3A_39, %get3A_33, %select_n3A : vector<16xi1>, vector<16xf32>
      %select_n3A_41 = arith.select %gt3A_39, %add3A_38, %select_n3A_27 : vector<16xi1>, vector<16xi32>
      %scan3A_42 = arith.constant 2 : i32
      %scan3A_43 = arith.addi %scan3A_17, %scan3A_42 : i32
      %mul3A_44 = arith.constant 16 : i32
      %mul3A_45 = arith.muli %scan3A_43, %mul3A_44 : i32
      %get3A_46 = arith.index_cast %mul3A_45 : i32 to index
      %get3A_47 = tpu.vector_load %arg13[%get3A_46] {strides = array<i32>} : memref<1280xf32, #tpu.memory_space<vmem>>, vector<16xf32>,
      %mul3A_48 = arith.constant 16 : i32
      %mul3A_49 = arith.muli %scan3A_43, %mul3A_48 : i32
      %add3A_50 = arith.addi %mul3A_0, %mul3A_49 : i32
      %broadcast_in_dim3A_51 = vector.broadcast %add3A_50 : i32 to vector<16xi32>
      %add3A_52 = arith.addi %broadcast_in_dim3A_51, %iota3A : vector<16xi32>
      %gt3A_53 = arith.cmpf ogt, %get3A_47, %select_n3A_40 : vector<16xf32>
      %select_n3A_54 = arith.select %gt3A_53, %get3A_47, %select_n3A_40 : vector<16xi1>, vector<16xf32>
      %select_n3A_55 = arith.select %gt3A_53, %add3A_52, %select_n3A_41 : vector<16xi1>, vector<16xi32>
      %scan3A_56 = arith.constant 3 : i32
      %scan3A_57 = arith.addi %scan3A_17, %scan3A_56 : i32
      %mul3A_58 = arith.constant 16 : i32
      %mul3A_59 = arith.muli %scan3A_57, %mul3A_58 : i32
      %get3A_60 = arith.index_cast %mul3A_59 : i32 to index
      %get3A_61 = tpu.vector_load %arg13[%get3A_60] {strides = array<i32>} : memref<1280xf32, #tpu.memory_space<vmem>>, vector<16xf32>,
      %mul3A_62 = arith.constant 16 : i32
      %mul3A_63 = arith.muli %scan3A_57, %mul3A_62 : i32
      %add3A_64 = arith.addi %mul3A_0, %mul3A_63 : i32
      %broadcast_in_dim3A_65 = vector.broadcast %add3A_64 : i32 to vector<16xi32>
      %add3A_66 = arith.addi %broadcast_in_dim3A_65, %iota3A : vector<16xi32>
      %gt3A_67 = arith.cmpf ogt, %get3A_61, %select_n3A_54 : vector<16xf32>
      %select_n3A_68 = arith.select %gt3A_67, %get3A_61, %select_n3A_54 : vector<16xi1>, vector<16xf32>
      %select_n3A_69 = arith.select %gt3A_67, %add3A_66, %select_n3A_55 : vector<16xi1>, vector<16xi32>
      scf.yield %select_n3A_68, %select_n3A_69 : vector<16xf32>, vector<16xi32>
    }
    %scan3A_8 = arith.constant 80 : i32
    %scan3A_9 = arith.constant 0 : i32
    %scan3A_10 = arith.constant 100 : i32
    %scan3A_11 = arith.addi %scan3A_9, %scan3A_10 : i32
    %scan3A_12 = arith.constant 1 : i32
    %scan3A_13:2 = scf.for %scan3A_17 = %scan3A_9 to %scan3A_11 step %scan3A_12 iter_args(%scan3A_18 = %scan3A_7#0, %scan3A_19 = %scan3A_7#1) -> (vector<16xf32>, vector<16xi32>)  : i32 {
      %masked_sort3A = arith.constant dense<true> : vector<16xi1>
      %masked_sort3A_20, %masked_sort3A_21, %masked_sort3A_22 = tpu.sort %scan3A_18, %scan3A_19 masked %masked_sort3A {descending = true} : (vector<16xf32>, vector<16xi32>, vector<16xi1>) -> (vector<16xi1>, vector<16xf32>, vector<16xi32>)
      %slice3A = vector.extract_strided_slice %masked_sort3A_21 {offsets = [0], sizes = [1], strides = [1]} : vector<16xf32> to vector<1xf32>
      %squeeze3A = vector.extract %slice3A[0] : f32 from vector<1xf32>
      %eq3A_23 = vector.broadcast %squeeze3A : f32 to vector<16xf32>
      %eq3A_24 = arith.cmpf oeq, %scan3A_18, %eq3A_23 : vector<16xf32>
      %jit3A = arith.constant 2147483647 : i32
      %broadcast_in_dim3A_25 = vector.broadcast %jit3A : i32 to vector<16xi32>
      %select_n3A = arith.select %eq3A_24, %scan3A_19, %broadcast_in_dim3A_25 : vector<16xi1>, vector<16xi32>
      %masked_sort3A_26 = arith.constant dense<true> : vector<16xi1>
      %masked_sort3A_27 = arith.constant -2147483648 : i32
      %masked_sort3A_28 = vector.broadcast %masked_sort3A_27 : i32 to vector<16xi32>
      %masked_sort3A_29 = arith.xori %select_n3A, %masked_sort3A_28 : vector<16xi32>
      %masked_sort3A_30, %masked_sort3A_31, %masked_sort3A_32 = tpu.sort %masked_sort3A_29, %scan3A_19 masked %masked_sort3A_26 : (vector<16xi32>, vector<16xi32>, vector<16xi1>) -> (vector<16xi1>, vector<16xi32>, vector<16xi32>)
      %masked_sort3A_33 = arith.xori %masked_sort3A_31, %masked_sort3A_28 : vector<16xi32>
      %slice3A_34 = vector.extract_strided_slice %masked_sort3A_33 {offsets = [0], sizes = [1], strides = [1]} : vector<16xi32> to vector<1xi32>
      %squeeze3A_35 = vector.extract %slice3A_34[0] : i32 from vector<1xi32>
      %sub3A = arith.subi %squeeze3A_35, %mul3A_0 : i32
      %broadcast_in_dim3A_36 = vector.broadcast %sub3A : i32 to vector<16xi32>
      %gather3A = tpu.vector_load_idx %arg9[%broadcast_in_dim3A_36] : memref<1280xf32, #tpu.memory_space<vmem>>[vector<16xi32>], vector<16xf32>,
      %gather3A_37 = tpu.vector_load_idx %arg10[%broadcast_in_dim3A_36] : memref<1280xf32, #tpu.memory_space<vmem>>[vector<16xi32>], vector<16xf32>,
      %gather3A_38 = tpu.vector_load_idx %arg11[%broadcast_in_dim3A_36] : memref<1280xf32, #tpu.memory_space<vmem>>[vector<16xi32>], vector<16xf32>,
      %gather3A_39 = tpu.vector_load_idx %arg12[%broadcast_in_dim3A_36] : memref<1280xf32, #tpu.memory_space<vmem>>[vector<16xi32>], vector<16xf32>,
      %eq3A_40 = arith.constant 0 : i32
      %eq3A_41 = vector.broadcast %eq3A_40 : i32 to vector<16xi32>
      %eq3A_42 = arith.cmpi eq, %iota3A, %eq3A_41 : vector<16xi32>
      %broadcast_in_dim3A_43 = vector.broadcast %squeeze3A : f32 to vector<16xf32>
      %eq3A_44 = arith.constant 1 : i32
      %eq3A_45 = vector.broadcast %eq3A_44 : i32 to vector<16xi32>
      %eq3A_46 = arith.cmpi eq, %iota3A, %eq3A_45 : vector<16xi32>
      %convert_element_type3A_47 = arith.sitofp %squeeze3A_35 : i32 to f32
      %broadcast_in_dim3A_48 = vector.broadcast %convert_element_type3A_47 : f32 to vector<16xf32>
      %eq3A_49 = arith.constant 2 : i32
      %eq3A_50 = vector.broadcast %eq3A_49 : i32 to vector<16xi32>
      %eq3A_51 = arith.cmpi eq, %iota3A, %eq3A_50 : vector<16xi32>
      %eq3A_52 = arith.constant 3 : i32
      %eq3A_53 = vector.broadcast %eq3A_52 : i32 to vector<16xi32>
      %eq3A_54 = arith.cmpi eq, %iota3A, %eq3A_53 : vector<16xi32>
      %eq3A_55 = arith.constant 4 : i32
      %eq3A_56 = vector.broadcast %eq3A_55 : i32 to vector<16xi32>
      %eq3A_57 = arith.cmpi eq, %iota3A, %eq3A_56 : vector<16xi32>
      %select_n3A_58 = arith.select %eq3A_57, %gather3A_38, %gather3A_39 : vector<16xi1>, vector<16xf32>
      %select_n3A_59 = arith.select %eq3A_54, %gather3A_37, %select_n3A_58 : vector<16xi1>, vector<16xf32>
      %select_n3A_60 = arith.select %eq3A_51, %gather3A, %select_n3A_59 : vector<16xi1>, vector<16xf32>
      %select_n3A_61 = arith.select %eq3A_46, %broadcast_in_dim3A_48, %select_n3A_60 : vector<16xi1>, vector<16xf32>
      %select_n3A_62 = arith.select %eq3A_42, %broadcast_in_dim3A_43, %select_n3A_61 : vector<16xi1>, vector<16xf32>
      %swap3A = arith.constant 0 : index
      %swap3A_63 = tpu.vector_load %arg14[%swap3A] {strides = array<i32>} : memref<16xf32, #tpu.memory_space<vmem>>, vector<16xf32>,
      tpu.vector_store %arg14[%swap3A], %select_n3A_62 {strides = array<i32>} : memref<16xf32, #tpu.memory_space<vmem>>, vector<16xf32>,
      %rem3A = arith.constant 2 : i32
      %rem3A_64 = arith.remsi %scan3A_17, %rem3A : i32
      "tpu.region"() ({
        %run_scoped3A = tpu.sem_alloc : memref<!tpu.dma_semaphore, #tpu.memory_space<semaphore_mem>>
        %dma_start3A = arith.constant 0 : i32
        %dma_start3A_244 = tpu.memref_slice %arg8[%rem3A_64, %arg1, %dma_start3A] : memref<2x16x16xf32, #tpu.memory_space<hbm>> -> memref<1x1x16xf32, #tpu.memory_space<hbm>>
        %dma_start3A_245 = tpu.memref_squeeze %dma_start3A_244 : memref<1x1x16xf32, #tpu.memory_space<hbm>> -> memref<16xf32, #tpu.memory_space<hbm>>
        %dma_start3A_246 = arith.constant 0 : i32
        %dma_start3A_247 = tpu.memref_slice %arg8[%rem3A_64, %arg1, %dma_start3A_246] : memref<2x16x16xf32, #tpu.memory_space<hbm>> -> memref<1x1x16xf32, #tpu.memory_space<hbm>>
        %dma_start3A_248 = tpu.memref_squeeze %dma_start3A_247 : memref<1x1x16xf32, #tpu.memory_space<hbm>> -> memref<16xf32, #tpu.memory_space<hbm>>
        tpu.enqueue_dma source(%arg14 : memref<16xf32, #tpu.memory_space<vmem>>) target(%dma_start3A_248 : memref<16xf32, #tpu.memory_space<hbm>>) target_semaphore(%run_scoped3A : memref<!tpu.dma_semaphore, #tpu.memory_space<semaphore_mem>>)
        %dma_wait3A = arith.constant 0 : i32
        %dma_wait3A_249 = tpu.memref_slice %arg8[%rem3A_64, %arg1, %dma_wait3A] : memref<2x16x16xf32, #tpu.memory_space<hbm>> -> memref<1x1x16xf32, #tpu.memory_space<hbm>>
        %dma_wait3A_250 = tpu.memref_squeeze %dma_wait3A_249 : memref<1x1x16xf32, #tpu.memory_space<hbm>> -> memref<16xf32, #tpu.memory_space<hbm>>
        %dma_wait3A_251 = arith.constant 0 : i32
        %dma_wait3A_252 = tpu.memref_slice %arg8[%rem3A_64, %arg1, %dma_wait3A_251] : memref<2x16x16xf32, #tpu.memory_space<hbm>> -> memref<1x1x16xf32, #tpu.memory_space<hbm>>
        %dma_wait3A_253 = tpu.memref_squeeze %dma_wait3A_252 : memref<1x1x16xf32, #tpu.memory_space<hbm>> -> memref<16xf32, #tpu.memory_space<hbm>>
        tpu.wait_dma2 semaphore(%run_scoped3A : memref<!tpu.dma_semaphore, #tpu.memory_space<semaphore_mem>>) src(%arg14 : memref<16xf32, #tpu.memory_space<vmem>>) dst(%dma_wait3A_253 : memref<16xf32, #tpu.memory_space<hbm>>)
        tpu.yield
      }) : () -> ()
      %barrier3A = arith.constant 0 : index
      tpu.barrier barrier_id(%barrier3A)
      "tpu.region"() ({
        %run_scoped3A = tpu.sem_alloc : memref<!tpu.dma_semaphore, #tpu.memory_space<semaphore_mem>>
        %dma_start3A = arith.constant 0 : i32
        %dma_start3A_244 = arith.constant 0 : i32
        %dma_start3A_245 = tpu.memref_slice %arg8[%rem3A_64, %dma_start3A, %dma_start3A_244] : memref<2x16x16xf32, #tpu.memory_space<hbm>> -> memref<1x16x16xf32, #tpu.memory_space<hbm>>
        %dma_start3A_246 = tpu.memref_squeeze %dma_start3A_245 : memref<1x16x16xf32, #tpu.memory_space<hbm>> -> memref<16x16xf32, #tpu.memory_space<hbm>>
        %dma_start3A_247 = arith.constant 0 : i32
        %dma_start3A_248 = arith.constant 0 : i32
        %dma_start3A_249 = tpu.memref_slice %arg8[%rem3A_64, %dma_start3A_247, %dma_start3A_248] : memref<2x16x16xf32, #tpu.memory_space<hbm>> -> memref<1x16x16xf32, #tpu.memory_space<hbm>>
        %dma_start3A_250 = tpu.memref_squeeze %dma_start3A_249 : memref<1x16x16xf32, #tpu.memory_space<hbm>> -> memref<16x16xf32, #tpu.memory_space<hbm>>
        tpu.enqueue_dma source(%dma_start3A_250 : memref<16x16xf32, #tpu.memory_space<hbm>>) target(%arg15 : memref<16x16xf32, #tpu.memory_space<vmem>>) target_semaphore(%run_scoped3A : memref<!tpu.dma_semaphore, #tpu.memory_space<semaphore_mem>>)
        %dma_wait3A = arith.constant 0 : i32
        %dma_wait3A_251 = arith.constant 0 : i32
        %dma_wait3A_252 = tpu.memref_slice %arg8[%rem3A_64, %dma_wait3A, %dma_wait3A_251] : memref<2x16x16xf32, #tpu.memory_space<hbm>> -> memref<1x16x16xf32, #tpu.memory_space<hbm>>
        %dma_wait3A_253 = tpu.memref_squeeze %dma_wait3A_252 : memref<1x16x16xf32, #tpu.memory_space<hbm>> -> memref<16x16xf32, #tpu.memory_space<hbm>>
        %dma_wait3A_254 = arith.constant 0 : i32
        %dma_wait3A_255 = arith.constant 0 : i32
        %dma_wait3A_256 = tpu.memref_slice %arg8[%rem3A_64, %dma_wait3A_254, %dma_wait3A_255] : memref<2x16x16xf32, #tpu.memory_space<hbm>> -> memref<1x16x16xf32, #tpu.memory_space<hbm>>
        %dma_wait3A_257 = tpu.memref_squeeze %dma_wait3A_256 : memref<1x16x16xf32, #tpu.memory_space<hbm>> -> memref<16x16xf32, #tpu.memory_space<hbm>>
        tpu.wait_dma2 semaphore(%run_scoped3A : memref<!tpu.dma_semaphore, #tpu.memory_space<semaphore_mem>>) src(%dma_wait3A_257 : memref<16x16xf32, #tpu.memory_space<hbm>>) dst(%arg15 : memref<16x16xf32, #tpu.memory_space<vmem>>)
        tpu.yield
      }) : () -> ()
      %get3A = arith.constant 0 : i32
      %get3A_65 = arith.index_cast %get3A : i32 to index
      %get3A_66 = arith.constant 0 : index
      %get3A_67 = tpu.vector_load %arg15[%get3A_65, %get3A_66] {strides = array<i32>} : memref<16x16xf32, #tpu.memory_space<vmem>>, vector<16xf32>,
      %get3A_68 = arith.constant 0 : i32
      %get3A_69 = arith.index_cast %get3A_68 : i32 to index
      %get3A_70 = arith.constant 0 : index
      %get3A_71 = tpu.vector_load %arg15[%get3A_69, %get3A_70] {strides = array<i32>} : memref<16x16xf32, #tpu.memory_space<vmem>>, vector<16xf32>,
      %slice3A_72 = vector.extract_strided_slice %get3A_71 {offsets = [0], sizes = [1], strides = [1]} : vector<16xf32> to vector<1xf32>
      %squeeze3A_73 = vector.extract %slice3A_72[0] : f32 from vector<1xf32>
      %gt3A = arith.constant -3.000000e+38 : f32
      %gt3A_74 = arith.cmpf ogt, %squeeze3A_73, %gt3A : f32
      %jit3A_75 = arith.constant -3.000000e+38 : f32
      %select_n3A_76 = arith.select %gt3A_74, %squeeze3A_73, %jit3A_75 : f32
      %select_n3A_77 = arith.select %gt3A_74, %get3A_71, %get3A_67 : vector<16xf32>
      %get3A_78 = arith.constant 1 : i32
      %get3A_79 = arith.index_cast %get3A_78 : i32 to index
      %get3A_80 = arith.constant 0 : index
      %get3A_81 = tpu.vector_load %arg15[%get3A_79, %get3A_80] {strides = array<i32>} : memref<16x16xf32, #tpu.memory_space<vmem>>, vector<16xf32>,
      %slice3A_82 = vector.extract_strided_slice %get3A_81 {offsets = [0], sizes = [1], strides = [1]} : vector<16xf32> to vector<1xf32>
      %squeeze3A_83 = vector.extract %slice3A_82[0] : f32 from vector<1xf32>
      %gt3A_84 = arith.cmpf ogt, %squeeze3A_83, %select_n3A_76 : f32
      %select_n3A_85 = arith.select %gt3A_84, %squeeze3A_83, %select_n3A_76 : f32
      %select_n3A_86 = arith.select %gt3A_84, %get3A_81, %select_n3A_77 : vector<16xf32>
      %get3A_87 = arith.constant 2 : i32
      %get3A_88 = arith.index_cast %get3A_87 : i32 to index
      %get3A_89 = arith.constant 0 : index
      %get3A_90 = tpu.vector_load %arg15[%get3A_88, %get3A_89] {strides = array<i32>} : memref<16x16xf32, #tpu.memory_space<vmem>>, vector<16xf32>,
      %slice3A_91 = vector.extract_strided_slice %get3A_90 {offsets = [0], sizes = [1], strides = [1]} : vector<16xf32> to vector<1xf32>
      %squeeze3A_92 = vector.extract %slice3A_91[0] : f32 from vector<1xf32>
      %gt3A_93 = arith.cmpf ogt, %squeeze3A_92, %select_n3A_85 : f32
      %select_n3A_94 = arith.select %gt3A_93, %squeeze3A_92, %select_n3A_85 : f32
      %select_n3A_95 = arith.select %gt3A_93, %get3A_90, %select_n3A_86 : vector<16xf32>
      %get3A_96 = arith.constant 3 : i32
      %get3A_97 = arith.index_cast %get3A_96 : i32 to index
      %get3A_98 = arith.constant 0 : index
      %get3A_99 = tpu.vector_load %arg15[%get3A_97, %get3A_98] {strides = array<i32>} : memref<16x16xf32, #tpu.memory_space<vmem>>, vector<16xf32>,
      %slice3A_100 = vector.extract_strided_slice %get3A_99 {offsets = [0], sizes = [1], strides = [1]} : vector<16xf32> to vector<1xf32>
      %squeeze3A_101 = vector.extract %slice3A_100[0] : f32 from vector<1xf32>
      %gt3A_102 = arith.cmpf ogt, %squeeze3A_101, %select_n3A_94 : f32
      %select_n3A_103 = arith.select %gt3A_102, %squeeze3A_101, %select_n3A_94 : f32
      %select_n3A_104 = arith.select %gt3A_102, %get3A_99, %select_n3A_95 : vector<16xf32>
      %get3A_105 = arith.constant 4 : i32
      %get3A_106 = arith.index_cast %get3A_105 : i32 to index
      %get3A_107 = arith.constant 0 : index
      %get3A_108 = tpu.vector_load %arg15[%get3A_106, %get3A_107] {strides = array<i32>} : memref<16x16xf32, #tpu.memory_space<vmem>>, vector<16xf32>,
      %slice3A_109 = vector.extract_strided_slice %get3A_108 {offsets = [0], sizes = [1], strides = [1]} : vector<16xf32> to vector<1xf32>
      %squeeze3A_110 = vector.extract %slice3A_109[0] : f32 from vector<1xf32>
      %gt3A_111 = arith.cmpf ogt, %squeeze3A_110, %select_n3A_103 : f32
      %select_n3A_112 = arith.select %gt3A_111, %squeeze3A_110, %select_n3A_103 : f32
      %select_n3A_113 = arith.select %gt3A_111, %get3A_108, %select_n3A_104 : vector<16xf32>
      %get3A_114 = arith.constant 5 : i32
      %get3A_115 = arith.index_cast %get3A_114 : i32 to index
      %get3A_116 = arith.constant 0 : index
      %get3A_117 = tpu.vector_load %arg15[%get3A_115, %get3A_116] {strides = array<i32>} : memref<16x16xf32, #tpu.memory_space<vmem>>, vector<16xf32>,
      %slice3A_118 = vector.extract_strided_slice %get3A_117 {offsets = [0], sizes = [1], strides = [1]} : vector<16xf32> to vector<1xf32>
      %squeeze3A_119 = vector.extract %slice3A_118[0] : f32 from vector<1xf32>
      %gt3A_120 = arith.cmpf ogt, %squeeze3A_119, %select_n3A_112 : f32
      %select_n3A_121 = arith.select %gt3A_120, %squeeze3A_119, %select_n3A_112 : f32
      %select_n3A_122 = arith.select %gt3A_120, %get3A_117, %select_n3A_113 : vector<16xf32>
      %get3A_123 = arith.constant 6 : i32
      %get3A_124 = arith.index_cast %get3A_123 : i32 to index
      %get3A_125 = arith.constant 0 : index
      %get3A_126 = tpu.vector_load %arg15[%get3A_124, %get3A_125] {strides = array<i32>} : memref<16x16xf32, #tpu.memory_space<vmem>>, vector<16xf32>,
      %slice3A_127 = vector.extract_strided_slice %get3A_126 {offsets = [0], sizes = [1], strides = [1]} : vector<16xf32> to vector<1xf32>
      %squeeze3A_128 = vector.extract %slice3A_127[0] : f32 from vector<1xf32>
      %gt3A_129 = arith.cmpf ogt, %squeeze3A_128, %select_n3A_121 : f32
      %select_n3A_130 = arith.select %gt3A_129, %squeeze3A_128, %select_n3A_121 : f32
      %select_n3A_131 = arith.select %gt3A_129, %get3A_126, %select_n3A_122 : vector<16xf32>
      %get3A_132 = arith.constant 7 : i32
      %get3A_133 = arith.index_cast %get3A_132 : i32 to index
      %get3A_134 = arith.constant 0 : index
      %get3A_135 = tpu.vector_load %arg15[%get3A_133, %get3A_134] {strides = array<i32>} : memref<16x16xf32, #tpu.memory_space<vmem>>, vector<16xf32>,
      %slice3A_136 = vector.extract_strided_slice %get3A_135 {offsets = [0], sizes = [1], strides = [1]} : vector<16xf32> to vector<1xf32>
      %squeeze3A_137 = vector.extract %slice3A_136[0] : f32 from vector<1xf32>
      %gt3A_138 = arith.cmpf ogt, %squeeze3A_137, %select_n3A_130 : f32
      %select_n3A_139 = arith.select %gt3A_138, %squeeze3A_137, %select_n3A_130 : f32
      %select_n3A_140 = arith.select %gt3A_138, %get3A_135, %select_n3A_131 : vector<16xf32>
      %get3A_141 = arith.constant 8 : i32
      %get3A_142 = arith.index_cast %get3A_141 : i32 to index
      %get3A_143 = arith.constant 0 : index
      %get3A_144 = tpu.vector_load %arg15[%get3A_142, %get3A_143] {strides = array<i32>} : memref<16x16xf32, #tpu.memory_space<vmem>>, vector<16xf32>,
      %slice3A_145 = vector.extract_strided_slice %get3A_144 {offsets = [0], sizes = [1], strides = [1]} : vector<16xf32> to vector<1xf32>
      %squeeze3A_146 = vector.extract %slice3A_145[0] : f32 from vector<1xf32>
      %gt3A_147 = arith.cmpf ogt, %squeeze3A_146, %select_n3A_139 : f32
      %select_n3A_148 = arith.select %gt3A_147, %squeeze3A_146, %select_n3A_139 : f32
      %select_n3A_149 = arith.select %gt3A_147, %get3A_144, %select_n3A_140 : vector<16xf32>
      %get3A_150 = arith.constant 9 : i32
      %get3A_151 = arith.index_cast %get3A_150 : i32 to index
      %get3A_152 = arith.constant 0 : index
      %get3A_153 = tpu.vector_load %arg15[%get3A_151, %get3A_152] {strides = array<i32>} : memref<16x16xf32, #tpu.memory_space<vmem>>, vector<16xf32>,
      %slice3A_154 = vector.extract_strided_slice %get3A_153 {offsets = [0], sizes = [1], strides = [1]} : vector<16xf32> to vector<1xf32>
      %squeeze3A_155 = vector.extract %slice3A_154[0] : f32 from vector<1xf32>
      %gt3A_156 = arith.cmpf ogt, %squeeze3A_155, %select_n3A_148 : f32
      %select_n3A_157 = arith.select %gt3A_156, %squeeze3A_155, %select_n3A_148 : f32
      %select_n3A_158 = arith.select %gt3A_156, %get3A_153, %select_n3A_149 : vector<16xf32>
      %get3A_159 = arith.constant 10 : i32
      %get3A_160 = arith.index_cast %get3A_159 : i32 to index
      %get3A_161 = arith.constant 0 : index
      %get3A_162 = tpu.vector_load %arg15[%get3A_160, %get3A_161] {strides = array<i32>} : memref<16x16xf32, #tpu.memory_space<vmem>>, vector<16xf32>,
      %slice3A_163 = vector.extract_strided_slice %get3A_162 {offsets = [0], sizes = [1], strides = [1]} : vector<16xf32> to vector<1xf32>
      %squeeze3A_164 = vector.extract %slice3A_163[0] : f32 from vector<1xf32>
      %gt3A_165 = arith.cmpf ogt, %squeeze3A_164, %select_n3A_157 : f32
      %select_n3A_166 = arith.select %gt3A_165, %squeeze3A_164, %select_n3A_157 : f32
      %select_n3A_167 = arith.select %gt3A_165, %get3A_162, %select_n3A_158 : vector<16xf32>
      %get3A_168 = arith.constant 11 : i32
      %get3A_169 = arith.index_cast %get3A_168 : i32 to index
      %get3A_170 = arith.constant 0 : index
      %get3A_171 = tpu.vector_load %arg15[%get3A_169, %get3A_170] {strides = array<i32>} : memref<16x16xf32, #tpu.memory_space<vmem>>, vector<16xf32>,
      %slice3A_172 = vector.extract_strided_slice %get3A_171 {offsets = [0], sizes = [1], strides = [1]} : vector<16xf32> to vector<1xf32>
      %squeeze3A_173 = vector.extract %slice3A_172[0] : f32 from vector<1xf32>
      %gt3A_174 = arith.cmpf ogt, %squeeze3A_173, %select_n3A_166 : f32
      %select_n3A_175 = arith.select %gt3A_174, %squeeze3A_173, %select_n3A_166 : f32
      %select_n3A_176 = arith.select %gt3A_174, %get3A_171, %select_n3A_167 : vector<16xf32>
      %get3A_177 = arith.constant 12 : i32
      %get3A_178 = arith.index_cast %get3A_177 : i32 to index
      %get3A_179 = arith.constant 0 : index
      %get3A_180 = tpu.vector_load %arg15[%get3A_178, %get3A_179] {strides = array<i32>} : memref<16x16xf32, #tpu.memory_space<vmem>>, vector<16xf32>,
      %slice3A_181 = vector.extract_strided_slice %get3A_180 {offsets = [0], sizes = [1], strides = [1]} : vector<16xf32> to vector<1xf32>
      %squeeze3A_182 = vector.extract %slice3A_181[0] : f32 from vector<1xf32>
      %gt3A_183 = arith.cmpf ogt, %squeeze3A_182, %select_n3A_175 : f32
      %select_n3A_184 = arith.select %gt3A_183, %squeeze3A_182, %select_n3A_175 : f32
      %select_n3A_185 = arith.select %gt3A_183, %get3A_180, %select_n3A_176 : vector<16xf32>
      %get3A_186 = arith.constant 13 : i32
      %get3A_187 = arith.index_cast %get3A_186 : i32 to index
      %get3A_188 = arith.constant 0 : index
      %get3A_189 = tpu.vector_load %arg15[%get3A_187, %get3A_188] {strides = array<i32>} : memref<16x16xf32, #tpu.memory_space<vmem>>, vector<16xf32>,
      %slice3A_190 = vector.extract_strided_slice %get3A_189 {offsets = [0], sizes = [1], strides = [1]} : vector<16xf32> to vector<1xf32>
      %squeeze3A_191 = vector.extract %slice3A_190[0] : f32 from vector<1xf32>
      %gt3A_192 = arith.cmpf ogt, %squeeze3A_191, %select_n3A_184 : f32
      %select_n3A_193 = arith.select %gt3A_192, %squeeze3A_191, %select_n3A_184 : f32
      %select_n3A_194 = arith.select %gt3A_192, %get3A_189, %select_n3A_185 : vector<16xf32>
      %get3A_195 = arith.constant 14 : i32
      %get3A_196 = arith.index_cast %get3A_195 : i32 to index
      %get3A_197 = arith.constant 0 : index
      %get3A_198 = tpu.vector_load %arg15[%get3A_196, %get3A_197] {strides = array<i32>} : memref<16x16xf32, #tpu.memory_space<vmem>>, vector<16xf32>,
      %slice3A_199 = vector.extract_strided_slice %get3A_198 {offsets = [0], sizes = [1], strides = [1]} : vector<16xf32> to vector<1xf32>
      %squeeze3A_200 = vector.extract %slice3A_199[0] : f32 from vector<1xf32>
      %gt3A_201 = arith.cmpf ogt, %squeeze3A_200, %select_n3A_193 : f32
      %select_n3A_202 = arith.select %gt3A_201, %squeeze3A_200, %select_n3A_193 : f32
      %select_n3A_203 = arith.select %gt3A_201, %get3A_198, %select_n3A_194 : vector<16xf32>
      %get3A_204 = arith.constant 15 : i32
      %get3A_205 = arith.index_cast %get3A_204 : i32 to index
      %get3A_206 = arith.constant 0 : index
      %get3A_207 = tpu.vector_load %arg15[%get3A_205, %get3A_206] {strides = array<i32>} : memref<16x16xf32, #tpu.memory_space<vmem>>, vector<16xf32>,
      %slice3A_208 = vector.extract_strided_slice %get3A_207 {offsets = [0], sizes = [1], strides = [1]} : vector<16xf32> to vector<1xf32>
      %squeeze3A_209 = vector.extract %slice3A_208[0] : f32 from vector<1xf32>
      %gt3A_210 = arith.cmpf ogt, %squeeze3A_209, %select_n3A_202 : f32
      %select_n3A_211 = arith.select %gt3A_210, %squeeze3A_209, %select_n3A_202 : f32
      %select_n3A_212 = arith.select %gt3A_210, %get3A_207, %select_n3A_203 : vector<16xf32>
      %slice3A_213 = vector.extract_strided_slice %select_n3A_212 {offsets = [1], sizes = [1], strides = [1]} : vector<16xf32> to vector<1xf32>
      %squeeze3A_214 = vector.extract %slice3A_213[0] : f32 from vector<1xf32>
      %convert_element_type3A_215 = arith.fptosi %squeeze3A_214 : f32 to i32
      %slice3A_216 = vector.extract_strided_slice %select_n3A_212 {offsets = [2], sizes = [1], strides = [1]} : vector<16xf32> to vector<1xf32>
      %squeeze3A_217 = vector.extract %slice3A_216[0] : f32 from vector<1xf32>
      %slice3A_218 = vector.extract_strided_slice %select_n3A_212 {offsets = [3], sizes = [1], strides = [1]} : vector<16xf32> to vector<1xf32>
      %squeeze3A_219 = vector.extract %slice3A_218[0] : f32 from vector<1xf32>
      %slice3A_220 = vector.extract_strided_slice %select_n3A_212 {offsets = [4], sizes = [1], strides = [1]} : vector<16xf32> to vector<1xf32>
      %squeeze3A_221 = vector.extract %slice3A_220[0] : f32 from vector<1xf32>
      %slice3A_222 = vector.extract_strided_slice %select_n3A_212 {offsets = [5], sizes = [1], strides = [1]} : vector<16xf32> to vector<1xf32>
      %squeeze3A_223 = vector.extract %slice3A_222[0] : f32 from vector<1xf32>
      %eq3A_224 = arith.constant 0 : i32
      %eq3A_225 = arith.cmpi eq, %arg1, %eq3A_224 : i32
      %convert_element_type3A_226 = arith.extui %eq3A_225 : i1 to i32
      %cond3A_227 = arith.constant 0 : i32
      %cond3A_228 = arith.cmpi ne, %convert_element_type3A_226, %cond3A_227 : i32
      scf.if %cond3A_228 {
        %swap3A_244 = arith.index_cast %scan3A_17 : i32 to index
        %swap3A_245 = arith.constant 0 : index
        %swap3A_246 = tpu.vector_load %arg16[%swap3A_244, %swap3A_245] {strides = array<i32>} : memref<100x16xf32, #tpu.memory_space<vmem>>, vector<16xf32>,
        tpu.vector_store %arg16[%swap3A_244, %swap3A_245], %select_n3A_212 {strides = array<i32>} : memref<100x16xf32, #tpu.memory_space<vmem>>, vector<16xf32>,
      } else {
      }
      %sub3A_229 = arith.subf %squeeze3A_221, %squeeze3A_217 : f32
      %sub3A_230 = arith.subf %squeeze3A_223, %squeeze3A_219 : f32
      %mul3A_231 = arith.mulf %sub3A_229, %sub3A_230 : f32
      %broadcast_in_dim3A_232 = vector.broadcast %squeeze3A_217 : f32 to vector<16xf32>
      %broadcast_in_dim3A_233 = vector.broadcast %squeeze3A_219 : f32 to vector<16xf32>
      %broadcast_in_dim3A_234 = vector.broadcast %squeeze3A_221 : f32 to vector<16xf32>
      %broadcast_in_dim3A_235 = vector.broadcast %squeeze3A_223 : f32 to vector<16xf32>
      %broadcast_in_dim3A_236 = vector.broadcast %mul3A_231 : f32 to vector<16xf32>
      %broadcast_in_dim3A_237 = vector.broadcast %convert_element_type3A_215 : i32 to vector<16xi32>
      %scan3A_238 = arith.constant 0 : i32
      %scan3A_239 = arith.constant 80 : i32
      %scan3A_240 = arith.addi %scan3A_238, %scan3A_239 : i32
      %scan3A_241 = arith.constant 4 : i32
      %scan3A_242:2 = scf.for %scan3A_244 = %scan3A_238 to %scan3A_240 step %scan3A_241 iter_args(%scan3A_245 = %broadcast_in_dim3A_1, %scan3A_246 = %broadcast_in_dim3A_3) -> (vector<16xf32>, vector<16xi32>)  : i32 {
        %mul3A_247 = arith.constant 16 : i32
        %mul3A_248 = arith.muli %scan3A_244, %mul3A_247 : i32
        %get3A_249 = arith.index_cast %mul3A_248 : i32 to index
        %get3A_250 = tpu.vector_load %arg13[%get3A_249] {strides = array<i32>} : memref<1280xf32, #tpu.memory_space<vmem>>, vector<16xf32>,
        %get3A_251 = arith.index_cast %mul3A_248 : i32 to index
        %get3A_252 = tpu.vector_load %arg9[%get3A_251] {strides = array<i32>} : memref<1280xf32, #tpu.memory_space<vmem>>, vector<16xf32>,
        %get3A_253 = arith.index_cast %mul3A_248 : i32 to index
        %get3A_254 = tpu.vector_load %arg10[%get3A_253] {strides = array<i32>} : memref<1280xf32, #tpu.memory_space<vmem>>, vector<16xf32>,
        %get3A_255 = arith.index_cast %mul3A_248 : i32 to index
        %get3A_256 = tpu.vector_load %arg11[%get3A_255] {strides = array<i32>} : memref<1280xf32, #tpu.memory_space<vmem>>, vector<16xf32>,
        %get3A_257 = arith.index_cast %mul3A_248 : i32 to index
        %get3A_258 = tpu.vector_load %arg12[%get3A_257] {strides = array<i32>} : memref<1280xf32, #tpu.memory_space<vmem>>, vector<16xf32>,
        %sub3A_259 = arith.subf %get3A_256, %get3A_252 : vector<16xf32>
        %sub3A_260 = arith.subf %get3A_258, %get3A_254 : vector<16xf32>
        %mul3A_261 = arith.mulf %sub3A_259, %sub3A_260 : vector<16xf32>
        %min3A = arith.minimumf %broadcast_in_dim3A_234, %get3A_256 : vector<16xf32>
        %max3A = arith.maximumf %broadcast_in_dim3A_232, %get3A_252 : vector<16xf32>
        %sub3A_262 = arith.subf %min3A, %max3A : vector<16xf32>
        %max3A_263 = arith.constant 0.000000e+00 : f32
        %max3A_264 = vector.broadcast %max3A_263 : f32 to vector<16xf32>
        %max3A_265 = arith.maximumf %sub3A_262, %max3A_264 : vector<16xf32>
        %min3A_266 = arith.minimumf %broadcast_in_dim3A_235, %get3A_258 : vector<16xf32>
        %max3A_267 = arith.maximumf %broadcast_in_dim3A_233, %get3A_254 : vector<16xf32>
        %sub3A_268 = arith.subf %min3A_266, %max3A_267 : vector<16xf32>
        %max3A_269 = arith.constant 0.000000e+00 : f32
        %max3A_270 = vector.broadcast %max3A_269 : f32 to vector<16xf32>
        %max3A_271 = arith.maximumf %sub3A_268, %max3A_270 : vector<16xf32>
        %mul3A_272 = arith.mulf %max3A_265, %max3A_271 : vector<16xf32>
        %add3A = arith.addf %broadcast_in_dim3A_236, %mul3A_261 : vector<16xf32>
        %sub3A_273 = arith.subf %add3A, %mul3A_272 : vector<16xf32>
        %max3A_274 = arith.constant 9.99999971E-10 : f32
        %max3A_275 = vector.broadcast %max3A_274 : f32 to vector<16xf32>
        %max3A_276 = arith.maximumf %sub3A_273, %max3A_275 : vector<16xf32>
        %div3A = arith.divf %mul3A_272, %max3A_276 : vector<16xf32>
        %gt3A_277 = arith.constant 5.000000e-01 : f32
        %gt3A_278 = vector.broadcast %gt3A_277 : f32 to vector<16xf32>
        %gt3A_279 = arith.cmpf ogt, %div3A, %gt3A_278 : vector<16xf32>
        %sub3A_280 = arith.constant 1.000000e+00 : f32
        %sub3A_281 = vector.broadcast %sub3A_280 : f32 to vector<16xf32>
        %sub3A_282 = arith.subf %sub3A_281, %div3A : vector<16xf32>
        %jit3A_283 = arith.constant 1.000000e+00 : f32
        %broadcast_in_dim3A_284 = vector.broadcast %jit3A_283 : f32 to vector<16xf32>
        %select_n3A_285 = arith.select %gt3A_279, %sub3A_282, %broadcast_in_dim3A_284 : vector<16xi1>, vector<16xf32>
        %mul3A_286 = arith.constant 16 : i32
        %mul3A_287 = arith.muli %scan3A_244, %mul3A_286 : i32
        %add3A_288 = arith.addi %mul3A_0, %mul3A_287 : i32
        %broadcast_in_dim3A_289 = vector.broadcast %add3A_288 : i32 to vector<16xi32>
        %add3A_290 = arith.addi %broadcast_in_dim3A_289, %iota3A : vector<16xi32>
        %eq3A_291 = arith.cmpi eq, %add3A_290, %broadcast_in_dim3A_237 : vector<16xi32>
        %mul3A_292 = arith.mulf %get3A_250, %select_n3A_285 : vector<16xf32>
        %jit3A_293 = arith.constant -1.000000e+09 : f32
        %broadcast_in_dim3A_294 = vector.broadcast %jit3A_293 : f32 to vector<16xf32>
        %select_n3A_295 = arith.select %eq3A_291, %broadcast_in_dim3A_294, %mul3A_292 : vector<16xi1>, vector<16xf32>
        %swap3A_296 = arith.index_cast %mul3A_248 : i32 to index
        %swap3A_297 = tpu.vector_load %arg13[%swap3A_296] {strides = array<i32>} : memref<1280xf32, #tpu.memory_space<vmem>>, vector<16xf32>,
        tpu.vector_store %arg13[%swap3A_296], %select_n3A_295 {strides = array<i32>} : memref<1280xf32, #tpu.memory_space<vmem>>, vector<16xf32>,
        %gt3A_298 = arith.cmpf ogt, %select_n3A_295, %scan3A_245 : vector<16xf32>
        %select_n3A_299 = arith.select %gt3A_298, %select_n3A_295, %scan3A_245 : vector<16xi1>, vector<16xf32>
        %select_n3A_300 = arith.select %gt3A_298, %add3A_290, %scan3A_246 : vector<16xi1>, vector<16xi32>
        %scan3A_301 = arith.constant 1 : i32
        %scan3A_302 = arith.addi %scan3A_244, %scan3A_301 : i32
        %mul3A_303 = arith.constant 16 : i32
        %mul3A_304 = arith.muli %scan3A_302, %mul3A_303 : i32
        %get3A_305 = arith.index_cast %mul3A_304 : i32 to index
        %get3A_306 = tpu.vector_load %arg13[%get3A_305] {strides = array<i32>} : memref<1280xf32, #tpu.memory_space<vmem>>, vector<16xf32>,
        %get3A_307 = arith.index_cast %mul3A_304 : i32 to index
        %get3A_308 = tpu.vector_load %arg9[%get3A_307] {strides = array<i32>} : memref<1280xf32, #tpu.memory_space<vmem>>, vector<16xf32>,
        %get3A_309 = arith.index_cast %mul3A_304 : i32 to index
        %get3A_310 = tpu.vector_load %arg10[%get3A_309] {strides = array<i32>} : memref<1280xf32, #tpu.memory_space<vmem>>, vector<16xf32>,
        %get3A_311 = arith.index_cast %mul3A_304 : i32 to index
        %get3A_312 = tpu.vector_load %arg11[%get3A_311] {strides = array<i32>} : memref<1280xf32, #tpu.memory_space<vmem>>, vector<16xf32>,
        %get3A_313 = arith.index_cast %mul3A_304 : i32 to index
        %get3A_314 = tpu.vector_load %arg12[%get3A_313] {strides = array<i32>} : memref<1280xf32, #tpu.memory_space<vmem>>, vector<16xf32>,
        %sub3A_315 = arith.subf %get3A_312, %get3A_308 : vector<16xf32>
        %sub3A_316 = arith.subf %get3A_314, %get3A_310 : vector<16xf32>
        %mul3A_317 = arith.mulf %sub3A_315, %sub3A_316 : vector<16xf32>
        %min3A_318 = arith.minimumf %broadcast_in_dim3A_234, %get3A_312 : vector<16xf32>
        %max3A_319 = arith.maximumf %broadcast_in_dim3A_232, %get3A_308 : vector<16xf32>
        %sub3A_320 = arith.subf %min3A_318, %max3A_319 : vector<16xf32>
        %max3A_321 = arith.constant 0.000000e+00 : f32
        %max3A_322 = vector.broadcast %max3A_321 : f32 to vector<16xf32>
        %max3A_323 = arith.maximumf %sub3A_320, %max3A_322 : vector<16xf32>
        %min3A_324 = arith.minimumf %broadcast_in_dim3A_235, %get3A_314 : vector<16xf32>
        %max3A_325 = arith.maximumf %broadcast_in_dim3A_233, %get3A_310 : vector<16xf32>
        %sub3A_326 = arith.subf %min3A_324, %max3A_325 : vector<16xf32>
        %max3A_327 = arith.constant 0.000000e+00 : f32
        %max3A_328 = vector.broadcast %max3A_327 : f32 to vector<16xf32>
        %max3A_329 = arith.maximumf %sub3A_326, %max3A_328 : vector<16xf32>
        %mul3A_330 = arith.mulf %max3A_323, %max3A_329 : vector<16xf32>
        %add3A_331 = arith.addf %broadcast_in_dim3A_236, %mul3A_317 : vector<16xf32>
        %sub3A_332 = arith.subf %add3A_331, %mul3A_330 : vector<16xf32>
        %max3A_333 = arith.constant 9.99999971E-10 : f32
        %max3A_334 = vector.broadcast %max3A_333 : f32 to vector<16xf32>
        %max3A_335 = arith.maximumf %sub3A_332, %max3A_334 : vector<16xf32>
        %div3A_336 = arith.divf %mul3A_330, %max3A_335 : vector<16xf32>
        %gt3A_337 = arith.constant 5.000000e-01 : f32
        %gt3A_338 = vector.broadcast %gt3A_337 : f32 to vector<16xf32>
        %gt3A_339 = arith.cmpf ogt, %div3A_336, %gt3A_338 : vector<16xf32>
        %sub3A_340 = arith.constant 1.000000e+00 : f32
        %sub3A_341 = vector.broadcast %sub3A_340 : f32 to vector<16xf32>
        %sub3A_342 = arith.subf %sub3A_341, %div3A_336 : vector<16xf32>
        %jit3A_343 = arith.constant 1.000000e+00 : f32
        %broadcast_in_dim3A_344 = vector.broadcast %jit3A_343 : f32 to vector<16xf32>
        %select_n3A_345 = arith.select %gt3A_339, %sub3A_342, %broadcast_in_dim3A_344 : vector<16xi1>, vector<16xf32>
        %mul3A_346 = arith.constant 16 : i32
        %mul3A_347 = arith.muli %scan3A_302, %mul3A_346 : i32
        %add3A_348 = arith.addi %mul3A_0, %mul3A_347 : i32
        %broadcast_in_dim3A_349 = vector.broadcast %add3A_348 : i32 to vector<16xi32>
        %add3A_350 = arith.addi %broadcast_in_dim3A_349, %iota3A : vector<16xi32>
        %eq3A_351 = arith.cmpi eq, %add3A_350, %broadcast_in_dim3A_237 : vector<16xi32>
        %mul3A_352 = arith.mulf %get3A_306, %select_n3A_345 : vector<16xf32>
        %jit3A_353 = arith.constant -1.000000e+09 : f32
        %broadcast_in_dim3A_354 = vector.broadcast %jit3A_353 : f32 to vector<16xf32>
        %select_n3A_355 = arith.select %eq3A_351, %broadcast_in_dim3A_354, %mul3A_352 : vector<16xi1>, vector<16xf32>
        %swap3A_356 = arith.index_cast %mul3A_304 : i32 to index
        %swap3A_357 = tpu.vector_load %arg13[%swap3A_356] {strides = array<i32>} : memref<1280xf32, #tpu.memory_space<vmem>>, vector<16xf32>,
        tpu.vector_store %arg13[%swap3A_356], %select_n3A_355 {strides = array<i32>} : memref<1280xf32, #tpu.memory_space<vmem>>, vector<16xf32>,
        %gt3A_358 = arith.cmpf ogt, %select_n3A_355, %select_n3A_299 : vector<16xf32>
        %select_n3A_359 = arith.select %gt3A_358, %select_n3A_355, %select_n3A_299 : vector<16xi1>, vector<16xf32>
        %select_n3A_360 = arith.select %gt3A_358, %add3A_350, %select_n3A_300 : vector<16xi1>, vector<16xi32>
        %scan3A_361 = arith.constant 2 : i32
        %scan3A_362 = arith.addi %scan3A_244, %scan3A_361 : i32
        %mul3A_363 = arith.constant 16 : i32
        %mul3A_364 = arith.muli %scan3A_362, %mul3A_363 : i32
        %get3A_365 = arith.index_cast %mul3A_364 : i32 to index
        %get3A_366 = tpu.vector_load %arg13[%get3A_365] {strides = array<i32>} : memref<1280xf32, #tpu.memory_space<vmem>>, vector<16xf32>,
        %get3A_367 = arith.index_cast %mul3A_364 : i32 to index
        %get3A_368 = tpu.vector_load %arg9[%get3A_367] {strides = array<i32>} : memref<1280xf32, #tpu.memory_space<vmem>>, vector<16xf32>,
        %get3A_369 = arith.index_cast %mul3A_364 : i32 to index
        %get3A_370 = tpu.vector_load %arg10[%get3A_369] {strides = array<i32>} : memref<1280xf32, #tpu.memory_space<vmem>>, vector<16xf32>,
        %get3A_371 = arith.index_cast %mul3A_364 : i32 to index
        %get3A_372 = tpu.vector_load %arg11[%get3A_371] {strides = array<i32>} : memref<1280xf32, #tpu.memory_space<vmem>>, vector<16xf32>,
        %get3A_373 = arith.index_cast %mul3A_364 : i32 to index
        %get3A_374 = tpu.vector_load %arg12[%get3A_373] {strides = array<i32>} : memref<1280xf32, #tpu.memory_space<vmem>>, vector<16xf32>,
        %sub3A_375 = arith.subf %get3A_372, %get3A_368 : vector<16xf32>
        %sub3A_376 = arith.subf %get3A_374, %get3A_370 : vector<16xf32>
        %mul3A_377 = arith.mulf %sub3A_375, %sub3A_376 : vector<16xf32>
        %min3A_378 = arith.minimumf %broadcast_in_dim3A_234, %get3A_372 : vector<16xf32>
        %max3A_379 = arith.maximumf %broadcast_in_dim3A_232, %get3A_368 : vector<16xf32>
        %sub3A_380 = arith.subf %min3A_378, %max3A_379 : vector<16xf32>
        %max3A_381 = arith.constant 0.000000e+00 : f32
        %max3A_382 = vector.broadcast %max3A_381 : f32 to vector<16xf32>
        %max3A_383 = arith.maximumf %sub3A_380, %max3A_382 : vector<16xf32>
        %min3A_384 = arith.minimumf %broadcast_in_dim3A_235, %get3A_374 : vector<16xf32>
        %max3A_385 = arith.maximumf %broadcast_in_dim3A_233, %get3A_370 : vector<16xf32>
        %sub3A_386 = arith.subf %min3A_384, %max3A_385 : vector<16xf32>
        %max3A_387 = arith.constant 0.000000e+00 : f32
        %max3A_388 = vector.broadcast %max3A_387 : f32 to vector<16xf32>
        %max3A_389 = arith.maximumf %sub3A_386, %max3A_388 : vector<16xf32>
        %mul3A_390 = arith.mulf %max3A_383, %max3A_389 : vector<16xf32>
        %add3A_391 = arith.addf %broadcast_in_dim3A_236, %mul3A_377 : vector<16xf32>
        %sub3A_392 = arith.subf %add3A_391, %mul3A_390 : vector<16xf32>
        %max3A_393 = arith.constant 9.99999971E-10 : f32
        %max3A_394 = vector.broadcast %max3A_393 : f32 to vector<16xf32>
        %max3A_395 = arith.maximumf %sub3A_392, %max3A_394 : vector<16xf32>
        %div3A_396 = arith.divf %mul3A_390, %max3A_395 : vector<16xf32>
        %gt3A_397 = arith.constant 5.000000e-01 : f32
        %gt3A_398 = vector.broadcast %gt3A_397 : f32 to vector<16xf32>
        %gt3A_399 = arith.cmpf ogt, %div3A_396, %gt3A_398 : vector<16xf32>
        %sub3A_400 = arith.constant 1.000000e+00 : f32
        %sub3A_401 = vector.broadcast %sub3A_400 : f32 to vector<16xf32>
        %sub3A_402 = arith.subf %sub3A_401, %div3A_396 : vector<16xf32>
        %jit3A_403 = arith.constant 1.000000e+00 : f32
        %broadcast_in_dim3A_404 = vector.broadcast %jit3A_403 : f32 to vector<16xf32>
        %select_n3A_405 = arith.select %gt3A_399, %sub3A_402, %broadcast_in_dim3A_404 : vector<16xi1>, vector<16xf32>
        %mul3A_406 = arith.constant 16 : i32
        %mul3A_407 = arith.muli %scan3A_362, %mul3A_406 : i32
        %add3A_408 = arith.addi %mul3A_0, %mul3A_407 : i32
        %broadcast_in_dim3A_409 = vector.broadcast %add3A_408 : i32 to vector<16xi32>
        %add3A_410 = arith.addi %broadcast_in_dim3A_409, %iota3A : vector<16xi32>
        %eq3A_411 = arith.cmpi eq, %add3A_410, %broadcast_in_dim3A_237 : vector<16xi32>
        %mul3A_412 = arith.mulf %get3A_366, %select_n3A_405 : vector<16xf32>
        %jit3A_413 = arith.constant -1.000000e+09 : f32
        %broadcast_in_dim3A_414 = vector.broadcast %jit3A_413 : f32 to vector<16xf32>
        %select_n3A_415 = arith.select %eq3A_411, %broadcast_in_dim3A_414, %mul3A_412 : vector<16xi1>, vector<16xf32>
        %swap3A_416 = arith.index_cast %mul3A_364 : i32 to index
        %swap3A_417 = tpu.vector_load %arg13[%swap3A_416] {strides = array<i32>} : memref<1280xf32, #tpu.memory_space<vmem>>, vector<16xf32>,
        tpu.vector_store %arg13[%swap3A_416], %select_n3A_415 {strides = array<i32>} : memref<1280xf32, #tpu.memory_space<vmem>>, vector<16xf32>,
        %gt3A_418 = arith.cmpf ogt, %select_n3A_415, %select_n3A_359 : vector<16xf32>
        %select_n3A_419 = arith.select %gt3A_418, %select_n3A_415, %select_n3A_359 : vector<16xi1>, vector<16xf32>
        %select_n3A_420 = arith.select %gt3A_418, %add3A_410, %select_n3A_360 : vector<16xi1>, vector<16xi32>
        %scan3A_421 = arith.constant 3 : i32
        %scan3A_422 = arith.addi %scan3A_244, %scan3A_421 : i32
        %mul3A_423 = arith.constant 16 : i32
        %mul3A_424 = arith.muli %scan3A_422, %mul3A_423 : i32
        %get3A_425 = arith.index_cast %mul3A_424 : i32 to index
        %get3A_426 = tpu.vector_load %arg13[%get3A_425] {strides = array<i32>} : memref<1280xf32, #tpu.memory_space<vmem>>, vector<16xf32>,
        %get3A_427 = arith.index_cast %mul3A_424 : i32 to index
        %get3A_428 = tpu.vector_load %arg9[%get3A_427] {strides = array<i32>} : memref<1280xf32, #tpu.memory_space<vmem>>, vector<16xf32>,
        %get3A_429 = arith.index_cast %mul3A_424 : i32 to index
        %get3A_430 = tpu.vector_load %arg10[%get3A_429] {strides = array<i32>} : memref<1280xf32, #tpu.memory_space<vmem>>, vector<16xf32>,
        %get3A_431 = arith.index_cast %mul3A_424 : i32 to index
        %get3A_432 = tpu.vector_load %arg11[%get3A_431] {strides = array<i32>} : memref<1280xf32, #tpu.memory_space<vmem>>, vector<16xf32>,
        %get3A_433 = arith.index_cast %mul3A_424 : i32 to index
        %get3A_434 = tpu.vector_load %arg12[%get3A_433] {strides = array<i32>} : memref<1280xf32, #tpu.memory_space<vmem>>, vector<16xf32>,
        %sub3A_435 = arith.subf %get3A_432, %get3A_428 : vector<16xf32>
        %sub3A_436 = arith.subf %get3A_434, %get3A_430 : vector<16xf32>
        %mul3A_437 = arith.mulf %sub3A_435, %sub3A_436 : vector<16xf32>
        %min3A_438 = arith.minimumf %broadcast_in_dim3A_234, %get3A_432 : vector<16xf32>
        %max3A_439 = arith.maximumf %broadcast_in_dim3A_232, %get3A_428 : vector<16xf32>
        %sub3A_440 = arith.subf %min3A_438, %max3A_439 : vector<16xf32>
        %max3A_441 = arith.constant 0.000000e+00 : f32
        %max3A_442 = vector.broadcast %max3A_441 : f32 to vector<16xf32>
        %max3A_443 = arith.maximumf %sub3A_440, %max3A_442 : vector<16xf32>
        %min3A_444 = arith.minimumf %broadcast_in_dim3A_235, %get3A_434 : vector<16xf32>
        %max3A_445 = arith.maximumf %broadcast_in_dim3A_233, %get3A_430 : vector<16xf32>
        %sub3A_446 = arith.subf %min3A_444, %max3A_445 : vector<16xf32>
        %max3A_447 = arith.constant 0.000000e+00 : f32
        %max3A_448 = vector.broadcast %max3A_447 : f32 to vector<16xf32>
        %max3A_449 = arith.maximumf %sub3A_446, %max3A_448 : vector<16xf32>
        %mul3A_450 = arith.mulf %max3A_443, %max3A_449 : vector<16xf32>
        %add3A_451 = arith.addf %broadcast_in_dim3A_236, %mul3A_437 : vector<16xf32>
        %sub3A_452 = arith.subf %add3A_451, %mul3A_450 : vector<16xf32>
        %max3A_453 = arith.constant 9.99999971E-10 : f32
        %max3A_454 = vector.broadcast %max3A_453 : f32 to vector<16xf32>
        %max3A_455 = arith.maximumf %sub3A_452, %max3A_454 : vector<16xf32>
        %div3A_456 = arith.divf %mul3A_450, %max3A_455 : vector<16xf32>
        %gt3A_457 = arith.constant 5.000000e-01 : f32
        %gt3A_458 = vector.broadcast %gt3A_457 : f32 to vector<16xf32>
        %gt3A_459 = arith.cmpf ogt, %div3A_456, %gt3A_458 : vector<16xf32>
        %sub3A_460 = arith.constant 1.000000e+00 : f32
        %sub3A_461 = vector.broadcast %sub3A_460 : f32 to vector<16xf32>
        %sub3A_462 = arith.subf %sub3A_461, %div3A_456 : vector<16xf32>
        %jit3A_463 = arith.constant 1.000000e+00 : f32
        %broadcast_in_dim3A_464 = vector.broadcast %jit3A_463 : f32 to vector<16xf32>
        %select_n3A_465 = arith.select %gt3A_459, %sub3A_462, %broadcast_in_dim3A_464 : vector<16xi1>, vector<16xf32>
        %mul3A_466 = arith.constant 16 : i32
        %mul3A_467 = arith.muli %scan3A_422, %mul3A_466 : i32
        %add3A_468 = arith.addi %mul3A_0, %mul3A_467 : i32
        %broadcast_in_dim3A_469 = vector.broadcast %add3A_468 : i32 to vector<16xi32>
        %add3A_470 = arith.addi %broadcast_in_dim3A_469, %iota3A : vector<16xi32>
        %eq3A_471 = arith.cmpi eq, %add3A_470, %broadcast_in_dim3A_237 : vector<16xi32>
        %mul3A_472 = arith.mulf %get3A_426, %select_n3A_465 : vector<16xf32>
        %jit3A_473 = arith.constant -1.000000e+09 : f32
        %broadcast_in_dim3A_474 = vector.broadcast %jit3A_473 : f32 to vector<16xf32>
        %select_n3A_475 = arith.select %eq3A_471, %broadcast_in_dim3A_474, %mul3A_472 : vector<16xi1>, vector<16xf32>
        %swap3A_476 = arith.index_cast %mul3A_424 : i32 to index
        %swap3A_477 = tpu.vector_load %arg13[%swap3A_476] {strides = array<i32>} : memref<1280xf32, #tpu.memory_space<vmem>>, vector<16xf32>,
        tpu.vector_store %arg13[%swap3A_476], %select_n3A_475 {strides = array<i32>} : memref<1280xf32, #tpu.memory_space<vmem>>, vector<16xf32>,
        %gt3A_478 = arith.cmpf ogt, %select_n3A_475, %select_n3A_419 : vector<16xf32>
        %select_n3A_479 = arith.select %gt3A_478, %select_n3A_475, %select_n3A_419 : vector<16xi1>, vector<16xf32>
        %select_n3A_480 = arith.select %gt3A_478, %add3A_470, %select_n3A_420 : vector<16xi1>, vector<16xi32>
        scf.yield %select_n3A_479, %select_n3A_480 : vector<16xf32>, vector<16xi32>
      }
      %scan3A_243 = arith.constant 80 : i32
      scf.yield %scan3A_242#0, %scan3A_242#1 : vector<16xf32>, vector<16xi32>
    }
    %scan3A_14 = arith.constant 100 : i32
    %eq3A = arith.constant 0 : i32
    %eq3A_15 = arith.cmpi eq, %arg1, %eq3A : i32
    %convert_element_type3A = arith.extui %eq3A_15 : i1 to i32
    %cond3A = arith.constant 0 : i32
    %cond3A_16 = arith.cmpi ne, %convert_element_type3A, %cond3A : i32
    scf.if %cond3A_16 {
      "tpu.region"() ({
        %run_scoped3A = tpu.sem_alloc : memref<!tpu.dma_semaphore, #tpu.memory_space<semaphore_mem>>
        tpu.enqueue_dma source(%arg16 : memref<100x16xf32, #tpu.memory_space<vmem>>) target(%arg7 : memref<100x16xf32, #tpu.memory_space<hbm>>) target_semaphore(%run_scoped3A : memref<!tpu.dma_semaphore, #tpu.memory_space<semaphore_mem>>)
        tpu.wait_dma2 semaphore(%run_scoped3A : memref<!tpu.dma_semaphore, #tpu.memory_space<semaphore_mem>>) src(%arg16 : memref<100x16xf32, #tpu.memory_space<vmem>>) dst(%arg7 : memref<100x16xf32, #tpu.memory_space<hbm>>)
        tpu.yield
      }) : () -> ()
    } else {
    }
    return
  }
}

</mosaic_0001>

<sc_bundles>
// kernel: kernel.3.cloned.1.call-start
scs
__scs_entry_jumppad:
0x0: {  	(pc) =	sbr.rel $0x88, $3  }
0x1: {  	(tag) =	ssettag $0x0;
	lr =	simm.s32 $0x1  }
0x2: {  	[smem:$0x3F9F] =	sst lr;
	_ =	strace $0xD0000000  }
0x3: {  	_ = 	snop  }
0x4: {  	_ = 	snop  }
0x5: {  	_ = 	snop  }
0x6: {  	_ = 	snop  }
0x7: {  	_ = 	snop  }
__scs_overlays_trampoline_lowered:
0x8: {  	[smem:$0x3FAE] =	sst s0  }
0x9: {  	[smem:$0x3FAF] =	sst s1  }
0xa: {  	[smem:$0x3FB0] =	sst s2  }
0xb: {  	[smem:$0x3FB1] =	sst s3  }
0xc: {  	[smem:$0x3FB2] =	sst s4  }
0xd: {  	[smem:$0x3FB3] =	sst s5  }
0xe: {  	[smem:$0x3FB4] =	sst s6  }
0xf: {  	[smem:$0x3FB5] =	sst s7  }
0x10: {  	[smem:$0x3FB6] =	sst s8  }
0x11: {  	[smem:$0x3FB7] =	sst s9;
	s0 =	simm.s32 @!p0 $0x0  }
0x12: {  	s1 =	sld [smem:$0x3F9D];
	s0 =	simm.s32 @p0 $0x1  }
0x13: {  	[smem:$0x3FB8] =	sst s0;
	s0 =	simm.s32 @!p1 $0x0  }
0x14: {  	s2 =	sld [smem:$0x3F9C];
	s0 =	simm.s32 @p1 $0x1  }
0x15: {  	[smem:$0x3FB9] =	sst s0;
	s0 =	simm.s32 @!p2 $0x0  }
0x16: {  	s3 =	sld [smem:$0x3FDB];
	s0 =	simm.s32 @p2 $0x1  }
0x17: {  	s4 =	simm.s32 $0x1BF5;
	[smem:$0x3FBB] =	sst s0  }
0x18: {  	s0 =	sld [smem:$0x3F9E];
	_ =	swait.ge [sflag:s4], $0x0  }
0x19: {  	s7 =	sld [smem:$0x3F9F]  }
0x1a: {  	s8 =	sadd.s32 $0xFFFFE003, lr  }
0x1b: {  	s9 =	sadd.s32 $0xFFFFFEF7, lr;
	s5 =	simm.s32 $0xFFFFFFFF;
	p2 =	slt.u32 s8, $0xFFFFF086  }
0x1c: {  	p1 =	slt.u32 s9, $0xF7A;
	s5 =	simm.s32 @!p2 $0x0  }
0x1d: {  	s5 =	simm.s32 @p1 $0x1;
	p0 =	seq.s32 s7, s2  }
0x1e: {  	s7 =	smul.u32 @!p0 $0xF7A, s2;
	p2 =	seq.s32 @!p0 s5, $0x0  }
0x1f: {  	s9 =	smul.u32 $0xF7A, s1;
	s8 =	simm.s32 @!p0 $0x1BF5;
	p2 =	por !p2, p0  }
0x20: {  	[sflag:s8] =	ssyncset.s32 @!p0 $0xFFFFF086;
	s6 =	sadd.s32 @!p0 s3, s7;
	s7 =	simm.s32 @!p0 $0x108  }
0x21: {  	s3 =	sadd.s32 s3, s9;
	s6 =	sadd.s32 @!p0 $0x88, s6;
	s7 =	simm.s32 @p2 $0x1082  }
0x22: {  	[simem:s7], [sflag:s8] =	dma.local @!p0 [hbm:s6], $0xF7A  }
0x23: {  	s9 =	sor.u32 $0xD0000000, s2;
	s6 =	simm.s32 $0x108;
	_ =	swait.ge @!p0 [sflag:s8], $0x0  }
0x24: {  	s3 =	sadd.s32 $0x88, s3;
	s6 =	simm.s32 @!p1 $0x1082;
	[sflag:s4] =	ssyncset.s32 $0xFFFFF086  }
0x25: {  	[simem:s6], [sflag:s4] =	dma.local [hbm:s3], $0xF7A  }
0x26: {  	[smem:$0x3F9F] =	sst s1;
	(tag) =	ssettag s2;
	_ =	strace s9  }
0x27: {  	s1 =	sld [smem:$0x3FAF]  }
0x28: {  	s2 =	sld [smem:$0x3FB0]  }
0x29: {  	s4 =	sld [smem:$0x3FB2]  }
0x2a: {  	p0 =	seq.s32 s5, $0x0;
	s5 =	sld [smem:$0x3FB3]  }
0x2b: {  	s6 =	sld [smem:$0x3FB4]  }
0x2c: {  	s7 =	sld [smem:$0x3FB5]  }
0x2d: {  	s3 =	simm.s32 $0x108;
	s8 =	sld [smem:$0x3FB6]  }
0x2e: {  	s3 =	simm.s32 @!p0 $0x1082;
	s9 =	sld [smem:$0x3FB7]  }
0x2f: {  	lr =	sadd.s32 s0, s3;
	s0 =	sld [smem:$0x3FAE]  }
0x30: {  	s3 =	sld [smem:$0x3FB1]  }
0x31: {  	[smem:$0x3FBA] =	sst s10  }
0x32: {  	s10 =	sld [smem:$0x3FB8];
	_ =	sdelay $0x3  }
0x33: {  	p0 =	seq.s32 s10, $0x1;
	s10 =	sld [smem:$0x3FBA];
	_ =	sdelay $0x3  }
0x34: {  	[smem:$0x3FBA] =	sst s10  }
0x35: {  	s10 =	sld [smem:$0x3FB9];
	_ =	sdelay $0x3  }
0x36: {  	p1 =	seq.s32 s10, $0x1;
	s10 =	sld [smem:$0x3FBA];
	_ =	sdelay $0x3  }
0x37: {  	[smem:$0x3FBA] =	sst s10  }
0x38: {  	s10 =	sld [smem:$0x3FBB]  }
0x39: {  	_ = 	snop;
	(pc) =	sbr.ind lr, $3  }
0x3a: {  	_ = 	snop  }
0x3b: {  	_ = 	snop  }
0x3c: {  	p2 =	seq.s32 s10, $0x1;
	s10 =	sld [smem:$0x3FBA]  }
0x3d: {  	_ =	shalt  }
0x3e: {  	_ =	shalt  }
0x3f: {  	_ =	shalt  }
0x40: {  	_ =	shalt  }
0x41: {  	_ =	shalt  }
0x42: {  	_ =	shalt  }
0x43: {  	_ =	shalt  }
0x44: {  	_ =	shalt  }
0x45: {  	_ =	shalt  }
0x46: {  	_ =	shalt  }
0x47: {  	_ =	shalt  }
0x48: {  	_ =	shalt  }
0x49: {  	_ =	shalt  }
0x4a: {  	_ =	shalt  }
0x4b: {  	_ =	shalt  }
0x4c: {  	_ =	shalt  }
0x4d: {  	_ =	shalt  }
0x4e: {  	_ =	shalt  }
0x4f: {  	_ =	shalt  }
0x50: {  	_ =	shalt  }
0x51: {  	_ =	shalt  }
0x52: {  	_ =	shalt  }
0x53: {  	_ =	shalt  }
0x54: {  	_ =	shalt  }
0x55: {  	_ =	shalt  }
0x56: {  	_ =	shalt  }
0x57: {  	_ =	shalt  }
0x58: {  	_ =	shalt  }
0x59: {  	_ =	shalt  }
0x5a: {  	_ =	shalt  }
0x5b: {  	_ =	shalt  }
0x5c: {  	_ =	shalt  }
0x5d: {  	_ =	shalt  }
0x5e: {  	_ =	shalt  }
0x5f: {  	_ =	shalt  }
0x60: {  	_ =	shalt  }
0x61: {  	_ =	shalt  }
0x62: {  	_ =	shalt  }
0x63: {  	_ =	shalt  }
0x64: {  	_ =	shalt  }
0x65: {  	_ =	shalt  }
0x66: {  	_ =	shalt  }
0x67: {  	_ =	shalt  }
0x68: {  	_ =	shalt  }
0x69: {  	_ =	shalt  }
0x6a: {  	_ =	shalt  }
0x6b: {  	_ =	shalt  }
0x6c: {  	_ =	shalt  }
0x6d: {  	_ =	shalt  }
0x6e: {  	_ =	shalt  }
0x6f: {  	_ =	shalt  }
0x70: {  	_ =	shalt  }
0x71: {  	_ =	shalt  }
0x72: {  	_ =	shalt  }
0x73: {  	_ =	shalt  }
0x74: {  	_ =	shalt  }
0x75: {  	_ =	shalt  }
0x76: {  	_ =	shalt  }
0x77: {  	_ =	shalt  }
0x78: {  	_ =	shalt  }
0x79: {  	_ =	shalt  }
0x7a: {  	_ =	shalt  }
0x7b: {  	_ =	shalt  }
0x7c: {  	_ =	shalt  }
0x7d: {  	_ =	shalt  }
0x7e: {  	_ =	shalt  }
0x7f: {  	_ =	shalt  }
0x80: {  	_ =	shalt  }
0x81: {  	_ =	shalt  }
0x82: {  	_ =	shalt  }
0x83: {  	_ =	shalt  }
0x84: {  	_ =	shalt  }
0x85: {  	_ =	shalt  }
0x86: {  	_ =	shalt  }
0x87: {  	_ =	shalt  }
.Lfunc_end0:
.L_simem_size_0:
called_computation_lowered:
.L_overlay_start_0:
0x88: {  	s0 =	sld [smem:$0x3FD9]  }
0x89: {  	s1 =	sld [smem:$0x3FFE];
	_ =	sdelay $0x3  }
0x8a: {  	s0 =	sadd.s32 s1, s0  }
0x8b: {  	[smem:$0x3FC6] =	sst s0  }
0x8c: {  	_ = 	snop  }
0x8d: {  	(tm) =	ssettm $0x1  }
0x8e: {  	s15 =	sld [smem:$0x3FFB];
	_ =	sdelay $0x3  }
0x8f: {  	_ =	strace s15  }
0x90: {  	s0 =	sld [smem:$0x3FFC];
	_ =	sdelay $0x3  }
0x91: {  	_ =	strace s0  }
0x92: {  	s0 =	sld [smem:$0x3FFD];
	_ =	sdelay $0x3  }
0x93: {  	_ =	strace s0  }
0x94: {  	_ =	strace $0x8FFFFFFF  }
0x95: {  	s16 =	sld [smem:$0x3FDB];
	_ =	sdelay $0x1  }
0x96: {  	s17 =	simm.s32 $_scs_section_size  }
0x97: {  	s2 =	simm.s32 $_size__tile_overlayer_lowered;
	s3 =	simm.s32 $_tile_overlayer_lowered  }
0x98: {  	s20 =	simm.s32 $0x1BFF;
	s19 =	sshll.u32 s3, $0x1;
	s0 =	sadd.s32 s17, s16  }
0x99: {  	s4 =	simm.s32 $0x0;
	s18 =	sshll.u32 s2, $0x1;
	s2 =	sadd.s32 s19, s0  }
0x9a: {  	[timem:s4], [sflag:s20] =	dma.local [hbm:s2], s18  }
0x9b: {  	_ =	swait.ge [sflag:s20], s18  }
0x9c: {  	s1 =	ssub.s32 $0x0, s18;
	[sflag:s20] =	ssyncset.done $0x0  }
0x9d: {  	[sflag:s20] =	ssyncadd.s32 s1;
	_ =	sdelay $0x1  }
0x9e: {  	s21 =	simm.s32 $0x1B8B  }
0x9f: {  	_ =	swait.ge [sflag:s21], $0x1  }
0xa0: {  	[sflag:s21] =	ssyncset.done $0x0  }
0xa1: {  	s23 =	simm.s32 $0x1B8E;
	s22 =	sld [smem:$0x3FFE];
	[sflag:s21] =	ssyncadd.s32 $0xFFFFFFFF  }
0xa2: {  	s24 =	simm.s32 $execute0_lowered;
	[smem:$0x3FD2] =	sst s23  }
0xa3: {  	s2 =	sshll.u32 s24, $0x1;
	_ =	strace $0x80000046;
	[dreg:$0x1] =	wrdreg $0xFFFFFFFF  }
0xa4: {  	s25 =	simm.s32 $_size_execute0_lowered;
	s0 =	sadd.s32 s0, s2;
	[dreg:$0x0] =	wrdreg $0x0  }
0xa5: {  	s2 =	sshll.u32 s25, $0x1;
	[dreg:$0x2] =	wrdreg s0  }
0xa6: {  	[dreg:$0x3] =	wrdreg s2  }
0xa7: {  	[dreg:$0x4] =	wrdreg $0xC0  }
0xa8: {  	_ =	task [dreg:s4], $0x5FFFF  }
0xa9: {  	[dreg:$0x1] =	wrdreg $0xFFFFFFFF  }
0xaa: {  	[dreg:$0x0] =	wrdreg $0x60  }
0xab: {  	[dreg:$0x2] =	wrdreg s22  }
0xac: {  	[dreg:$0x3] =	wrdreg $0x9  }
0xad: {  	_ =	task.clear_ibuf [dreg:s4], $0x4FFFF;
	_ =	strace $0x90000046  }
0xae: {  	s26 =	simm.s32 $0x9;
	_ =	strace $0x80000048  }
0xaf: {  	_ =	swait.ge [sflag:s26], $0x1  }
0xb0: {  	[sflag:s26] =	ssyncadd.s32 $0xFFFFFFFF  }
0xb1: {  	_ =	strace $0x90000048  }
0xb2: {  	_ =	sfence  }
0xb3: {  	s28 =	sld [smem:$0x0];
	_ =	sdelay $0x1  }
0xb4: {  	s29 =	srdreg.scid  }
0xb5: {  	s30 =	sshll.u32 s29, $0xD;
	s31 =	sshrl.u32 s29, $0x2  }
0xb6: {  	s1 =	sand.u32 $0x1, s29;
	s2 =	sand.u32 $0x4000, s30;
	s0 =	sadd.s32 s31, s28  }
0xb7: {  	s1 =	sor.u32 s2, s1;
	s0 =	sshll.u32 s0, $0x11  }
0xb8: {  	s0 =	sor.u32 s0, s1  }
0xb9: {  	s0 =	sadd.s32 $0x8F2B, s0  }
0xba: {  	[sflag:s0] =	ssyncadd.remote.s32 $0x1  }
0xbb: {  	_ =	sfence.sel $0xFFFF  }
0xbc: {  	[dreg:$0x0] =	wrdreg $0xFFFFFFFF;
	(pc) =	sbr.abs _section_cstart, $3  }
0xbd: {  	[dreg:$0x1] =	wrdreg $0xFFFFFFFF  }
0xbe: {  	_ =	task.clear_ibuf [dreg:s4], $0x2FFFF;
	_ =	strace $0x9FFFFFFF  }
0xbf: {  	(tm) =	ssettm $0x7FFFFFFF  }
tec
execute0_lowered:
.L_overlay_start_1:
0x0: {  	(tag) =	ssettag $0x1  }
0x1: {  	s7 =	stileid.u32  }
0x2: {  	s4 =	rddreg [dreg:$0x0];
	s1 =	smul.u32 $0x500, s7  }
0x3: {  	s0 =	rddreg [dreg:$0x1];
	s2 =	simm.s32 $0x0  }
0x4: {  	[smem:$0x7FF] =	sst s2;
	s3 =	sshrl.u32 s1, $0x3  }
0x5: {  	s5 =	simm.s32 $0x1;
	_ =	strace $0x80000047;
	s3 =	sadd.s32 s4, s3  }
0x6: {  	[tilespmem:s2], [sflag:$0x1] =	stream.linear.gather [hbm4b:s3+s2], $0x500, $0x38;
	[tilespmem:$0x5580] =	vst v63  }
0x7: {  	_ =	swait.ge [sflag:s5], $0x500  }
0x8: {  	[sflag:s5] =	ssyncset.done $0x0  }
0x9: {  	s8 =	simm.s32 $0x500;
	s6 =	sadd.s32 $0xA00, s3;
	[sflag:s5] =	ssyncadd.s32 $0xFFFFFB00  }
0xa: {  	[tilespmem:s8], [sflag:$0x1] =	stream.linear.gather [hbm4b:s6+s2], $0x500, $0x38;
	[tilespmem:$0x5580] =	vst v63  }
0xb: {  	_ =	swait.ge [sflag:s5], $0x500  }
0xc: {  	[sflag:s5] =	ssyncset.done $0x0  }
0xd: {  	s26 =	simm.s32 $0xA00;
	s25 =	sadd.s32 $0x1400, s3;
	[sflag:s5] =	ssyncadd.s32 $0xFFFFFB00  }
0xe: {  	[tilespmem:s26], [sflag:$0x1] =	stream.linear.gather [hbm4b:s25+s2], $0x500, $0x38;
	[tilespmem:$0x5580] =	vst v63  }
0xf: {  	_ =	swait.ge [sflag:s5], $0x500  }
0x10: {  	[sflag:s5] =	ssyncset.done $0x0  }
0x11: {  	s29 =	simm.s32 $0xF00;
	s28 =	sadd.s32 $0x1E00, s3;
	[sflag:s5] =	ssyncadd.s32 $0xFFFFFB00  }
0x12: {  	[tilespmem:s29], [sflag:$0x1] =	stream.linear.gather [hbm4b:s28+s2], $0x500, $0x38;
	[tilespmem:$0x5580] =	vst v63  }
0x13: {  	_ =	swait.ge [sflag:s5], $0x500  }
0x14: {  	[sflag:s5] =	ssyncset.done $0x0  }
0x15: {  	s30 =	simm.s32 $0x1400;
	s3 =	sadd.s32 $0x2800, s3;
	[sflag:s5] =	ssyncadd.s32 $0xFFFFFB00  }
0x16: {  	[tilespmem:s30], [sflag:$0x1] =	stream.linear.gather [hbm4b:s3+s2], $0x500, $0x38;
	[tilespmem:$0x5580] =	vst v63  }
0x17: {  	_ =	swait.ge [sflag:s5], $0x500  }
0x18: {  	[sflag:s5] =	ssyncset.done $0x0  }
0x19: {  	s31 =	simm.s32 $0x1420;
	[sflag:s5] =	ssyncadd.s32 $0xFFFFFB00  }
0x1a: {  	v3 =	vld [tilespmem:s31+$0xFFFFFFE0];
	_ =	sdelay $0x1  }
0x1b: {  	v1 =	vld [tilespmem:s31+$0xFFFFFFF0];
	_ =	sdelay $0x1  }
0x1c: {  	v4 =	vimm.f32 $-3.000000010e+38;
	v2 =	vld [tilespmem:s31+$0x0]  }
0x1d: {  	v0 =	vlaneseq.u32;
	vm0 =	vgt.f32 v3, v4  }
0x1e: {  	v5 =	vimm.s32 $0x0;
	v6 =	vor.u32 s1, v0;
	s6 =	simm.s32 $0x0;
	s8 =	simm.s32 $0x1460;
	s3 =	sadd.s32 $0x10, s1;
	v4 =	vsel vm0, v3, v4;
	v3 =	vld [tilespmem:s31+$0x10]  }
0x1f: {  	s2 =	sadd.s32 $0x3400, s4;
	s4 =	sadd.s32 $0x3200, s4;
	s5 =	smov.u32 s1;
	v5 =	vsel vm0, v6, v5;
	v6 =	vor.u32 s3, v0;
	vm0 =	vgt.f32 v1, v4  }
.LBB2_1:
0x20: {  	v7 =	vld [tilespmem:s8+$0xFFFFFFE0];
	s6 =	sadd.s32 $0x4, s6;
	v4 =	vsel vm0, v1, v4;
	v5 =	vsel vm0, v6, v5;
	s9 =	sadd.s32 $0x20, s5  }
0x21: {  	p0 =	slt.u32 s6, $0x4C;
	v6 =	vor.u32 s9, v0;
	vm0 =	vgt.f32 v2, v4  }
0x22: {  	s9 =	sadd.s32 $0x30, s5;
	v1 =	vld [tilespmem:s8+$0xFFFFFFF0];
	v4 =	vsel vm0, v2, v4;
	v5 =	vsel vm0, v6, v5  }
.Ltmp0:
0x23: {  	v6 =	vor.u32 s9, v0;
	vm0 =	vgt.f32 v3, v4;
	(pc) =	sbr.rel @p0 .LBB2_1-.Ltmp0, $4  }
0x24: {  	s5 =	sadd.s32 $0x40, s5;
	v2 =	vld [tilespmem:s8+$0x0];
	v3 =	vsel vm0, v3, v4;
	v5 =	vsel vm0, v6, v5  }
0x25: {  	v6 =	vor.u32 s5, v0;
	vm0 =	vgt.f32 v7, v3  }
0x26: {  	s9 =	sadd.s32 $0x10, s5;
	v4 =	vsel vm0, v7, v3;
	v5 =	vsel vm0, v6, v5;
	v3 =	vld [tilespmem:s8+$0x10]  }
0x27: {  	v6 =	vor.u32 s9, v0;
	s8 =	sadd.s32 $0x40, s8;
	vm0 =	vgt.f32 v1, v4  }
0x28: {  	v1 =	vsel vm0, v1, v4  }
0x29: {  	s6 =	sadd.s32 $0x20, s5;
	s31 =	sadd.s32 $0x30, s5;
	s5 =	sshll.u32 s7, $0x7;
	vm2 =	vcmask $0x3F0C;
	vm1 =	vgt.f32 v2, v1  }
0x2a: {  	p0 =	sne.s32 s7, $0x0;
	s8 =	simm.s32 $0xA00;
	s9 =	simm.s32 $0xF00;
	vm3 =	vmmov $0x1;
	v63 =	vor.u32 s6, v0;
	v1 =	vsel vm1, v2, v1  }
0x2b: {  	s10 =	simm.s32 $0x1900;
	s11 =	simm.s32 $0x1;
	v0 =	vor.u32 s31, v0;
	s7 =	simm.s32 @!p0 $0x0;
	v2 =	vsel vm0, v6, v5;
	vm0 =	vgt.f32 v3, v1  }
0x2c: {  	s12 =	simm.s32 $0x1980;
	s13 =	simm.s32 $0x0;
	s7 =	simm.s32 @p0 $0x1;
	v2 =	vsel vm1, v63, v2;
	vm1 =	vcmask $0x3F10;
	v1 =	vsel vm0, v3, v1  }
0x2d: {  	s6 =	simm.s32 $0x0;
	[smem:$0x7FD] =	sst s7;
	s7 =	simm.s32 $0x500;
	v2 =	vsel vm0, v0, v2;
	vm0 =	vcmask $0x3F14;
	v0 =	vlaneseq.u32  }
.LBB2_3:
0x2e: {  	(xrf1) =	vsort.dscd.msk.f32 $0xffff, v1, v2;
	_ =	sdelay $0xd  }
0x2f: {  	v3, _, _ =	vpop (xrf1)  }
0x30: {  	v4 =	vbroadcast v3, $0x0;
	_ =	sdelay $0x1  }
0x31: {  	vm4 =	veq.f32 v1, v4;
	v1 =	vxor.u32 $0x80000000, v2  }
0x32: {  	v1 =	vnsel vm4, $0xFFFFFFFF, v1  }
0x33: {  	(xrf1) =	vsort.ascd.msk.u32 $0xffff, v1, v2;
	_ =	sdelay $0xd  }
0x34: {  	v1, _, _ =	vpop (xrf1)  }
0x35: {  	(v2sf) =	vpush v1, $0x0;
	_ =	sdelay $0xe  }
0x36: {  	s14 =	spop (v2sf)  }
0x37: {  	s14 =	sxor.u32 $0x80000000, s14  }
0x38: {  	s15 =	ssub.s32 s14, s1  }
0x39: {  	v1 =	vmov s15;
	_ =	sdelay $0x4  }
0x3a: {  	v2 =	vld.idx.msk [tilespmem:v1+s8+$0x0], $0xffff  }
0x3b: {  	v4 =	vld.idx.msk [tilespmem:v1+s9+$0x0], $0xffff  }
0x3c: {  	v5 =	vld.idx.msk [tilespmem:v1+s7+$0x0], $0xffff  }
0x3d: {  	v1 =	vld.idx.msk [tilespmem:v1+s6+$0x0], $0xffff;
	_ =	sdelay $0x2  }
0x3e: {  	v2 =	vsel vm0, v4, v2  }
0x3f: {  	s16 =	sshll.u32 s13, $0xB;
	s14 =	scvt.s32.f32 s14;
	v2 =	vsel vm1, v2, v5  }
0x40: {  	vm4 =	veq.s32 v0, $0x1;
	s15 =	sand.u32 $0x800, s16;
	v1 =	vsel vm2, v2, v1  }
0x41: {  	s17 =	sor.u32 s5, s15;
	v1 =	vsel vm4, s14, v1  }
0x42: {  	s14 =	sshrl.u32 s17, $0x3;
	v1 =	vsel vm3, v3, v1  }
0x43: {  	s14 =	sadd.s32 s4, s14;
	[tilespmem:$0x1900] =	vst v1  }
0x44: {  	[hbm4b:s14+s6] =	stream.linear.scatter [tilespmem:s10], [sflag:$0x1], $0x80, $0x38;
	[tilespmem:$0x5580] =	vst v63  }
0x45: {  	_ =	swait.ge [sflag:s11], $0x80  }
0x46: {  	[sflag:s11] =	ssyncset.done $0x0  }
0x47: {  	s18 =	sshrl.u32 s15, $0x3;
	[sflag:s11] =	ssyncadd.s32 $0xFFFFFF80  }
0x48: {  	s14 =	sadd.s32 s4, s18;
	[bflag:$0x0] =	sbarrier.arrive $0xFFFF  }
0x49: {  	[tilespmem:s12], [sflag:$0x1] =	stream.linear.gather [hbm4b:s14+s6], $0x800, $0x38;
	[tilespmem:$0x5580] =	vst v63  }
0x4a: {  	_ =	swait.ge [sflag:s11], $0x800  }
0x4b: {  	[sflag:s11] =	ssyncset.done $0x0  }
0x4c: {  	[sflag:s11] =	ssyncadd.s32 $0xFFFFF800  }
0x4d: {  	v1 =	vld [tilespmem:$0x1980];
	_ =	sdelay $0x2  }
0x4e: {  	v2 =	vld [tilespmem:$0x1A00];
	_ =	sdelay $0x1  }
0x4f: {  	(v2sf) =	vpush v1, $0x0  }
0x50: {  	v3 =	vld [tilespmem:$0x1A80];
	_ =	sdelay $0x1  }
0x51: {  	(v2sf) =	vpush v2, $0x0  }
0x52: {  	v4 =	vld [tilespmem:$0x1B00];
	_ =	sdelay $0x1  }
0x53: {  	(v2sf) =	vpush v3, $0x0  }
0x54: {  	v5 =	vld [tilespmem:$0x1B80];
	_ =	sdelay $0x1  }
0x55: {  	(v2sf) =	vpush v4, $0x0  }
0x56: {  	v6 =	vld [tilespmem:$0x1C00];
	_ =	sdelay $0x1  }
0x57: {  	(v2sf) =	vpush v5, $0x0  }
0x58: {  	v7 =	vld [tilespmem:$0x1C80];
	_ =	sdelay $0x1  }
0x59: {  	s14 =	spop (v2sf);
	(v2sf) =	vpush v6, $0x0  }
0x5a: {  	v8 =	vld [tilespmem:$0x1D00];
	p0 =	sgt.f32 s14, $-3.000000010e+38;
	_ =	sdelay $0x1  }
0x5b: {  	s15 =	spop (v2sf);
	(v2sf) =	vpush v7, $0x0;
	s14 =	simm.s32 @!p0 $0xFF61B1E6  }
0x5c: {  	v9 =	vld [tilespmem:$0x1D80];
	p0 =	sgt.f32 s15, s14;
	_ =	sdelay $0x1  }
0x5d: {  	s14 =	smov.u32 @p0 s15;
	s15 =	spop (v2sf);
	(v2sf) =	vpush v8, $0x0  }
0x5e: {  	v10 =	vld [tilespmem:$0x1E00];
	p1 =	sgt.f32 s15, s14;
	_ =	sdelay $0x1  }
0x5f: {  	s16 =	simm.s32 @!p1 $0x0;
	s14 =	smov.u32 @p1 s15;
	s15 =	spop (v2sf);
	(v2sf) =	vpush v9, $0x0  }
0x60: {  	v11 =	vld [tilespmem:$0x1E80];
	s16 =	simm.s32 @p1 $0x1;
	p1 =	sgt.f32 s15, s14  }
0x61: {  	[smem:$0x7F8] =	sst s16  }
0x62: {  	s16 =	simm.s32 @!p1 $0x0;
	s14 =	smov.u32 @p1 s15;
	s15 =	spop (v2sf);
	(v2sf) =	vpush v10, $0x0  }
0x63: {  	v12 =	vld [tilespmem:$0x1F00];
	s16 =	simm.s32 @p1 $0x1;
	p1 =	sgt.f32 s15, s14  }
0x64: {  	[smem:$0x7F9] =	sst s16  }
0x65: {  	s16 =	simm.s32 @!p1 $0x0;
	s14 =	smov.u32 @p1 s15;
	s15 =	spop (v2sf);
	(v2sf) =	vpush v11, $0x0  }
0x66: {  	v13 =	vld [tilespmem:$0x1F80];
	s16 =	simm.s32 @p1 $0x1;
	p1 =	sgt.f32 s15, s14  }
0x67: {  	[smem:$0x7FA] =	sst s16  }
0x68: {  	s16 =	simm.s32 @!p1 $0x0;
	s14 =	smov.u32 @p1 s15;
	s15 =	spop (v2sf);
	(v2sf) =	vpush v12, $0x0  }
0x69: {  	v14 =	vld [tilespmem:$0x2000];
	s16 =	simm.s32 @p1 $0x1;
	p1 =	sgt.f32 s15, s14;
	_ =	sdelay $0x1  }
0x6a: {  	s14 =	smov.u32 @p1 s15;
	s15 =	spop (v2sf);
	(v2sf) =	vpush v13, $0x0  }
0x6b: {  	v15 =	vld [tilespmem:$0x2080];
	p5 =	sgt.f32 s15, s14;
	_ =	sdelay $0x1  }
0x6c: {  	s14 =	smov.u32 @p5 s15;
	s15 =	spop (v2sf);
	(v2sf) =	vpush v14, $0x0  }
0x6d: {  	v16 =	vld [tilespmem:$0x2100];
	p4 =	sgt.f32 s15, s14;
	_ =	sdelay $0x1  }
0x6e: {  	s14 =	smov.u32 @p4 s15;
	s15 =	spop (v2sf);
	(v2sf) =	vpush v15, $0x0  }
0x6f: {  	s19 =	sld [smem:$0x7F8];
	p3 =	sgt.f32 s15, s14  }
0x70: {  	s20 =	sld [smem:$0x7F9]  }
0x71: {  	s21 =	sld [smem:$0x7FA];
	s14 =	smov.u32 @p3 s15;
	s15 =	spop (v2sf);
	(v2sf) =	vpush v16, $0x0  }
0x72: {  	[smem:$0x7FB] =	sst s16;
	p2 =	sgt.f32 s15, s14  }
0x73: {  	s16 =	simm.s32 @!p1 $0x0;
	s22 =	sld [smem:$0x7FB]  }
0x74: {  	s16 =	simm.s32 @p1 $0x1;
	s14 =	smov.u32 @p2 s15;
	s15 =	spop (v2sf)  }
0x75: {  	v1 =	vpsel p0, v2, v1;
	p6 =	seq.s32 s19, $0x1;
	[smem:$0x7FC] =	sst s16;
	p1 =	sgt.f32 s15, s14  }
0x76: {  	v1 =	vpsel p6, v3, v1;
	p6 =	seq.s32 s20, $0x1;
	s23 =	sld [smem:$0x7FC]  }
0x77: {  	v1 =	vpsel p6, v4, v1;
	p6 =	seq.s32 s21, $0x1;
	s14 =	smov.u32 @p1 s15;
	s15 =	spop (v2sf)  }
0x78: {  	v1 =	vpsel p6, v5, v1;
	p6 =	seq.s32 s22, $0x1;
	p0 =	sgt.f32 s15, s14  }
0x79: {  	v1 =	vpsel p6, v6, v1;
	p6 =	seq.s32 s23, $0x1  }
0x7a: {  	v1 =	vpsel p6, v7, v1;
	s14 =	smov.u32 @p0 s15;
	s15 =	spop (v2sf)  }
0x7b: {  	v1 =	vpsel p5, v8, v1;
	p5 =	sgt.f32 s15, s14  }
0x7c: {  	v1 =	vpsel p4, v9, v1  }
0x7d: {  	v1 =	vpsel p3, v10, v1;
	s14 =	smov.u32 @p5 s15;
	s15 =	spop (v2sf)  }
0x7e: {  	s25 =	sld [smem:$0x7FD];
	v1 =	vpsel p2, v11, v1;
	p2 =	sgt.f32 s15, s14  }
0x7f: {  	v1 =	vpsel p1, v12, v1  }
0x80: {  	v1 =	vpsel p0, v13, v1;
	s14 =	smov.u32 @p2 s15;
	s24 =	spop (v2sf)  }
0x81: {  	p0 =	seq.s32 s25, $0x1;
	v1 =	vpsel p5, v14, v1;
	p6 =	sgt.f32 s24, s14  }
0x82: {  	v1 =	vpsel p2, v15, v1;
	s14 =	sshll.u32 @!p0 s13, $0x7  }
0x83: {  	s14 =	sand.u32 @!p0 $0x3FFFFF80, s14;
	v1 =	vpsel p6, v16, v1  }
0x84: {  	s26 =	simm.s32 $0x0;
	[tilespmem:s14+$0x2180] =	vst @!p0 v1  }
0x85: {  	v9 =	vld [tilespmem:s26+$0x30]  }
0x86: {  	v10 =	vld [tilespmem:s26+$0x530]  }
0x87: {  	v11 =	vld [tilespmem:s26+$0xA30]  }
0x88: {  	v12 =	vld [tilespmem:s26+$0xF30]  }
0x89: {  	(v2sf) =	vpush v1, $0x1;
	v13 =	vld [tilespmem:s26+$0x20]  }
0x8a: {  	(v2sf) =	vpush v1, $0x2;
	v14 =	vld [tilespmem:s26+$0x520]  }
0x8b: {  	v15 =	vld [tilespmem:s26+$0xA20];
	(v2sf) =	vpush v1, $0x3  }
0x8c: {  	v16 =	vld [tilespmem:s26+$0xF20];
	(v2sf) =	vpush v1, $0x4  }
0x8d: {  	v17 =	vld [tilespmem:s26+$0x10];
	(v2sf) =	vpush v1, $0x5  }
0x8e: {  	v18 =	vld [tilespmem:s26+$0x510]  }
0x8f: {  	v19 =	vld [tilespmem:s26+$0xA10]  }
0x90: {  	v20 =	vld [tilespmem:s26+$0xF10]  }
0x91: {  	s31 =	sadd.s32 $0x20, s1;
	v35 =	vor.u32 s3, v0;
	v4 =	vbroadcast v1, $0x2;
	v21 =	vld [tilespmem:s26+$0x0]  }
0x92: {  	v33 =	vor.u32 s31, v0;
	v5 =	vbroadcast v1, $0x4;
	v6 =	vbroadcast v1, $0x5;
	v22 =	vld [tilespmem:s26+$0x500]  }
0x93: {  	v3 =	vbroadcast v1, $0x3;
	v23 =	vld [tilespmem:s26+$0xA00];
	v24 =	vsub.f32 v11, v9;
	v25 =	vsub.f32 v12, v10  }
0x94: {  	v26 =	vld [tilespmem:s26+$0xF00];
	v11 =	vmin.f32 v5, v11;
	v9 =	vmax.f32 v4, v9;
	v12 =	vmin.f32 v6, v12  }
0x95: {  	v10 =	vmax.f32 v3, v10;
	v27 =	vsub.f32 v15, v13;
	v28 =	vsub.f32 v16, v14  }
0x96: {  	v15 =	vmin.f32 v5, v15;
	v13 =	vmax.f32 v4, v13;
	v16 =	vmin.f32 v6, v16  }
0x97: {  	v14 =	vmax.f32 v3, v14;
	v29 =	vsub.f32 v19, v17;
	v30 =	vsub.f32 v20, v18  }
0x98: {  	v19 =	vmin.f32 v5, v19;
	v17 =	vmax.f32 v4, v17;
	v20 =	vmin.f32 v6, v20;
	s28 =	spop (v2sf)  }
0x99: {  	v31 =	vsub.f32 v23, v21;
	v32 =	vsub.f32 v26, v22;
	v18 =	vmax.f32 v3, v18;
	s29 =	spop (v2sf)  }
0x9a: {  	v23 =	vmin.f32 v5, v23;
	v21 =	vmax.f32 v4, v21;
	v9 =	vsub.f32 v11, v9;
	s17 =	spop (v2sf)  }
0x9b: {  	v11 =	vsub.f32 v15, v13;
	v13 =	vmin.f32 v6, v26;
	v10 =	vsub.f32 v12, v10;
	s14 =	scvt.f32.s32 s28;
	s18 =	spop (v2sf)  }
0x9c: {  	v12 =	vsub.f32 v16, v14;
	v14 =	vmax.f32 v3, v22;
	v15 =	vsub.f32 v19, v17;
	s19 =	spop (v2sf);
	s16 =	ssub.f32 s18, s29  }
0x9d: {  	v16 =	vsub.f32 v20, v18;
	v19 =	vmul.f32 v28, v27;
	v1 =	vmov s14;
	s14 =	simm.s32 $0x40;
	s17 =	ssub.f32 s19, s17  }
0x9e: {  	v18 =	vsub.f32 v23, v21;
	v20 =	vmul.f32 v25, v24;
	v22 =	vmul.f32 v32, v31;
	v17 =	vld [tilespmem:s14+$0x30]  }
0x9f: {  	v13 =	vsub.f32 v13, v14;
	v14 =	vmul.f32 v30, v29;
	v11 =	vmax.f32 v11, $0.0e+00;
	v21 =	vld [tilespmem:s14+$0x530];
	s16 =	smul.f32 s17, s16  }
0xa0: {  	v9 =	vmax.f32 v9, $0.0e+00;
	v10 =	vmax.f32 v10, $0.0e+00;
	v18 =	vmax.f32 v18, $0.0e+00;
	v23 =	vld [tilespmem:s14+$0xA30]  }
0xa1: {  	v12 =	vmax.f32 v12, $0.0e+00;
	v13 =	vmax.f32 v13, $0.0e+00;
	v24 =	vld [tilespmem:s14+$0xF30];
	v2 =	vmov s16  }
0xa2: {  	v15 =	vmax.f32 v15, $0.0e+00;
	v18 =	vmul.f32 v13, v18;
	v25 =	vld [tilespmem:s14+$0x20];
	v13 =	vadd.f32 v22, v2  }
0xa3: {  	v16 =	vmax.f32 v16, $0.0e+00;
	v26 =	vmul.f32 v10, v9;
	v30 =	vld [tilespmem:s14+$0x510];
	v9 =	vadd.f32 v20, v2  }
0xa4: {  	v27 =	vmul.f32 v16, v15;
	v16 =	vld [tilespmem:s14+$0xA10];
	v10 =	vsub.f32 v13, v18;
	v13 =	vadd.f32 v14, v2  }
0xa5: {  	v28 =	vmul.f32 v12, v11;
	v62 =	vld [tilespmem:s14+$0xF10];
	v11 =	vadd.f32 v19, v2;
	v9 =	vsub.f32 v9, v26  }
0xa6: {  	v7 =	vimm.s32 $0x0;
	v34 =	vld [tilespmem:s14+$0x0];
	v10 =	vmax.f32 v10, $9.999999710e-10;
	v12 =	vsub.f32 v13, v27  }
0xa7: {  	v36 =	vld [tilespmem:s14+$0xA00];
	v11 =	vsub.f32 v11, v28;
	v9 =	vmax.f32 v9, $9.999999710e-10;
	(erf) = vrcp.f32 v10  }
0xa8: {  	v8 =	vimm.f32 $-3.000000010e+38;
	v22 =	vld [tilespmem:s14+$0x520];
	v10 =	vmax.f32 v12, $9.999999710e-10;
	(erf) = vrcp.f32 v9  }
0xa9: {  	s30 =	sadd.s32 $0x30, s1;
	v29 =	vor.u32 s1, v0;
	v20 =	vld [tilespmem:s14+$0xA20];
	v9 =	vmax.f32 v11, $9.999999710e-10;
	(erf) = vrcp.f32 v10  }
0xaa: {  	v31 =	vor.u32 s30, v0;
	vm7 =	veq.s32 v29, v1;
	v38 =	vld [tilespmem:s14+$0xF00];
	(erf) = vrcp.f32 v9  }
0xab: {  	vm6 =	veq.s32 v35, v1;
	vm5 =	veq.s32 v33, v1;
	vm4 =	veq.s32 v31, v1;
	v14 =	vld [tilespmem:s14+$0xF20]  }
0xac: {  	v37 =	vmin.f32 v5, v23;
	v39 =	vmax.f32 v4, v17;
	v40 =	vmin.f32 v6, v24;
	v19 =	vld [tilespmem:s14+$0x10]  }
0xad: {  	v41 =	vmax.f32 v3, v21;
	v43 =	vmax.f32 v4, v25;
	v15 =	vsub.f32 v62, v30;
	v10 =	vld [tilespmem:s14+$0x500]  }
0xae: {  	v42 =	vmin.f32 v5, v20;
	v45 =	vmax.f32 v3, v22;
	v11 =	vsub.f32 v24, v21  }
0xaf: {  	v12 =	vsub.f32 v20, v25;
	v20 =	vmin.f32 v6, v62;
	v21 =	vmax.f32 v3, v30  }
0xb0: {  	v13 =	vsub.f32 v14, v22;
	v44 =	vmin.f32 v6, v14;
	v9 =	vsub.f32 v23, v17;
	v17 =	vpop (erf)  }
0xb1: {  	v14 =	vsub.f32 v16, v19;
	v16 =	vmin.f32 v5, v16;
	v23 =	vld [tilespmem:s26+$0x1400];
	v24 =	vmul.f32 v17, v18;
	v22 =	vpop (erf)  }
0xb2: {  	v19 =	vmax.f32 v4, v19;
	v17 =	vsub.f32 v36, v34;
	v18 =	vsub.f32 v38, v10;
	v25 =	vpop (erf)  }
0xb3: {  	v63 =	vld [tilespmem:s26+$0x1410];
	v26 =	vmul.f32 v22, v26;
	v30 =	vsub.f32 $1.000000000e+00, v24;
	v25 =	vmul.f32 v25, v27;
	v27 =	vpop (erf)  }
0xb4: {  	v22 =	vmin.f32 v5, v36;
	vm8 =	vgt.f32 v24, $5.000000000e-01;
	v24 =	vld [tilespmem:s26+$0x1420];
	v27 =	vmul.f32 v27, v28  }
0xb5: {  	vm14 =	vgt.f32 v26, $5.000000000e-01;
	v28 =	vnsel vm8, $0x3F800000, v30;
	v30 =	vsub.f32 $1.000000000e+00, v25  }
0xb6: {  	vm9 =	vgt.f32 v25, $5.000000000e-01;
	v23 =	vmul.f32 v28, v23;
	v25 =	vsub.f32 $1.000000000e+00, v27  }
0xb7: {  	v26 =	vsub.f32 $1.000000000e+00, v26;
	v28 =	vld [tilespmem:s26+$0x1430];
	vm15 =	vgt.f32 v27, $5.000000000e-01;
	v30 =	vnsel vm9, $0x3F800000, v30  }
0xb8: {  	v27 =	vsel vm7, $0xCE6E6B28, v23;
	v23 =	vmul.f32 v30, v63;
	v25 =	vnsel vm15, $0x3F800000, v25  }
0xb9: {  	vm7 =	vgt.f32 v27, v8;
	v24 =	vmul.f32 v25, v24;
	v25 =	vnsel vm14, $0x3F800000, v26  }
0xba: {  	v8 =	vsel vm7, v27, v8;
	v7 =	vsel vm7, v29, v7;
	v26 =	vsel vm6, $0xCE6E6B28, v23  }
0xbb: {  	[tilespmem:s26+$0x1400] =	vst v27;
	v23 =	vmax.f32 v4, v34;
	v27 =	vsub.f32 v44, v45;
	vm6 =	vgt.f32 v26, v8  }
0xbc: {  	v28 =	vmul.f32 v25, v28;
	v29 =	vsel vm5, $0xCE6E6B28, v24;
	v8 =	vsel vm6, v26, v8  }
0xbd: {  	v25 =	vmin.f32 v6, v38;
	v24 =	vsub.f32 v37, v39;
	vm5 =	vgt.f32 v29, v8  }
0xbe: {  	[tilespmem:s26+$0x1410] =	vst v26;
	v7 =	vsel vm6, v35, v7;
	v30 =	vsel vm4, $0xCE6E6B28, v28;
	v8 =	vsel vm5, v29, v8  }
0xbf: {  	[tilespmem:s26+$0x1420] =	vst v29;
	v26 =	vsub.f32 v40, v41;
	v7 =	vsel vm5, v33, v7;
	vm4 =	vgt.f32 v30, v8  }
0xc0: {  	s15 =	smov.u32 s1;
	s17 =	simm.s32 $0x200;
	s16 =	simm.s32 $0x4;
	v28 =	vsub.f32 v42, v43;
	[tilespmem:s26+$0x1430] =	vst v30;
	v8 =	vsel vm4, v30, v8;
	v7 =	vsel vm4, v31, v7  }
.LBB2_4:
0xc1: {  	s18 =	sshra.s32 s17, $0x2;
	v10 =	vmax.f32 v3, v10;
	v16 =	vsub.f32 v16, v19;
	v19 =	vsub.f32 v20, v21  }
0xc2: {  	v21 =	vsub.f32 v22, v23;
	v12 =	vmul.f32 v13, v12;
	v9 =	vmul.f32 v11, v9;
	v20 =	vld [tilespmem:s18+$0x30]  }
0xc3: {  	v11 =	vmul.f32 v18, v17;
	v14 =	vmul.f32 v15, v14;
	v10 =	vsub.f32 v25, v10;
	v13 =	vld [tilespmem:s18+$0x530]  }
0xc4: {  	v17 =	vmax.f32 v28, $0.0e+00;
	v18 =	vmax.f32 v24, $0.0e+00;
	v22 =	vmax.f32 v26, $0.0e+00;
	v15 =	vld [tilespmem:s18+$0xA30]  }
0xc5: {  	v24 =	vmax.f32 v27, $0.0e+00;
	v21 =	vmax.f32 v21, $0.0e+00;
	v10 =	vmax.f32 v10, $0.0e+00;
	v23 =	vld [tilespmem:s18+$0xF30]  }
0xc6: {  	v21 =	vmul.f32 v10, v21;
	v10 =	vadd.f32 v11, v2;
	v11 =	vmax.f32 v16, $0.0e+00;
	v25 =	vld [tilespmem:s18+$0x20]  }
0xc7: {  	v22 =	vmul.f32 v22, v18;
	v19 =	vmax.f32 v19, $0.0e+00;
	v9 =	vadd.f32 v9, v2;
	v16 =	vld [tilespmem:s18+$0x520]  }
0xc8: {  	v26 =	vmul.f32 v19, v11;
	v11 =	vadd.f32 v14, v2;
	v10 =	vsub.f32 v10, v21;
	v18 =	vld [tilespmem:s18+$0xA20]  }
0xc9: {  	s15 =	sadd.s32 $0x40, s15;
	v24 =	vmul.f32 v24, v17;
	v12 =	vadd.f32 v12, v2;
	v9 =	vsub.f32 v9, v22;
	v14 =	vld [tilespmem:s18+$0xF20]  }
0xca: {  	v27 =	vor.u32 s15, v0;
	v11 =	vsub.f32 v11, v26;
	v10 =	vmax.f32 v10, $9.999999710e-10;
	v17 =	vld [tilespmem:s18+$0x10]  }
0xcb: {  	s19 =	sadd.s32 $0x30, s15;
	v12 =	vsub.f32 v12, v24;
	v9 =	vmax.f32 v9, $9.999999710e-10;
	v28 =	vld [tilespmem:s18+$0x510];
	(erf) = vrcp.f32 v10  }
0xcc: {  	s20 =	sadd.s32 $0x20, s15;
	v29 =	vor.u32 s19, v0;
	v10 =	vmax.f32 v11, $9.999999710e-10;
	v19 =	vld [tilespmem:s18+$0xA10];
	(erf) = vrcp.f32 v9  }
0xcd: {  	s19 =	sadd.s32 $0x10, s15;
	v31 =	vor.u32 s20, v0;
	v9 =	vmax.f32 v12, $9.999999710e-10;
	v30 =	vld [tilespmem:s18+$0xF10];
	(erf) = vrcp.f32 v10  }
0xce: {  	vm7 =	veq.s32 v27, v1;
	v33 =	vor.u32 s19, v0;
	v32 =	vld [tilespmem:s18+$0x0];
	(erf) = vrcp.f32 v9  }
0xcf: {  	vm5 =	veq.s32 v31, v1;
	vm4 =	veq.s32 v29, v1;
	vm6 =	veq.s32 v33, v1;
	v10 =	vld [tilespmem:s18+$0x500]  }
0xd0: {  	v35 =	vmin.f32 v5, v15;
	v11 =	vsub.f32 v23, v13;
	v9 =	vsub.f32 v15, v20;
	v34 =	vld [tilespmem:s18+$0xA00]  }
0xd1: {  	v37 =	vmax.f32 v4, v20;
	v39 =	vmax.f32 v3, v13;
	v38 =	vmin.f32 v6, v23;
	v36 =	vld [tilespmem:s18+$0xF00]  }
0xd2: {  	v12 =	vsub.f32 v18, v25;
	v40 =	vmin.f32 v5, v18;
	v13 =	vsub.f32 v14, v16  }
0xd3: {  	v41 =	vmax.f32 v4, v25;
	v43 =	vmax.f32 v3, v16;
	v42 =	vmin.f32 v6, v14  }
0xd4: {  	v14 =	vsub.f32 v19, v17;
	v16 =	vmin.f32 v5, v19;
	v15 =	vsub.f32 v30, v28;
	v18 =	vpop (erf)  }
0xd5: {  	v19 =	vmax.f32 v4, v17;
	v20 =	vmin.f32 v6, v30;
	v23 =	vld [tilespmem:s14+$0x1400];
	v25 =	vmul.f32 v18, v21;
	v30 =	vpop (erf)  }
0xd6: {  	v17 =	vsub.f32 v34, v32;
	v21 =	vmax.f32 v3, v28;
	v18 =	vsub.f32 v36, v10;
	v28 =	vpop (erf)  }
0xd7: {  	v44 =	vsub.f32 $1.000000000e+00, v25;
	v45 =	vld [tilespmem:s14+$0x1410];
	v26 =	vmul.f32 v28, v26;
	v28 =	vmul.f32 v30, v22;
	v30 =	vpop (erf)  }
0xd8: {  	v22 =	vmin.f32 v5, v34;
	vm8 =	vgt.f32 v25, $5.000000000e-01;
	v25 =	vld [tilespmem:s14+$0x1420];
	v24 =	vmul.f32 v30, v24  }
0xd9: {  	v30 =	vnsel vm8, $0x3F800000, v44;
	v34 =	vsub.f32 $1.000000000e+00, v26;
	vm8 =	vgt.f32 v28, $5.000000000e-01  }
0xda: {  	vm9 =	vgt.f32 v26, $5.000000000e-01;
	v23 =	vmul.f32 v30, v23;
	v26 =	vsub.f32 $1.000000000e+00, v24;
	v30 =	vld [tilespmem:s14+$0x1430]  }
0xdb: {  	v34 =	vnsel vm9, $0x3F800000, v34;
	vm9 =	vgt.f32 v24, $5.000000000e-01;
	v24 =	vsub.f32 $1.000000000e+00, v28  }
0xdc: {  	v23 =	vsel vm7, $0xCE6E6B28, v23;
	v28 =	vmul.f32 v34, v45;
	v26 =	vnsel vm9, $0x3F800000, v26  }
0xdd: {  	[tilespmem:s14+$0x1400] =	vst v23;
	vm7 =	vgt.f32 v23, v8;
	v25 =	vmul.f32 v26, v25;
	v24 =	vnsel vm8, $0x3F800000, v24  }
0xde: {  	s16 =	sadd.s32 $0x4, s16;
	v8 =	vsel vm7, v23, v8;
	v7 =	vsel vm7, v27, v7;
	v26 =	vsel vm6, $0xCE6E6B28, v28  }
0xdf: {  	p0 =	slt.u32 s16, $0x4C;
	v23 =	vmax.f32 v4, v32;
	[tilespmem:s14+$0x1410] =	vst v26;
	vm6 =	vgt.f32 v26, v8;
	v27 =	vmul.f32 v24, v30  }
.Ltmp1:
0xe0: {  	v8 =	vsel vm6, v26, v8;
	v7 =	vsel vm6, v33, v7;
	v26 =	vsel vm5, $0xCE6E6B28, v25;
	(pc) =	sbr.rel @p0 .LBB2_4-.Ltmp1, $4  }
0xe1: {  	v24 =	vsub.f32 v35, v37;
	v25 =	vmin.f32 v6, v36;
	[tilespmem:s14+$0x1420] =	vst v26;
	vm5 =	vgt.f32 v26, v8  }
0xe2: {  	v30 =	vsel vm4, $0xCE6E6B28, v27;
	v8 =	vsel vm5, v26, v8;
	v7 =	vsel vm5, v31, v7  }
0xe3: {  	v28 =	vsub.f32 v40, v41;
	v26 =	vsub.f32 v38, v39;
	[tilespmem:s14+$0x1430] =	vst v30;
	vm4 =	vgt.f32 v30, v8;
	s14 =	smov.u32 s18  }
0xe4: {  	s17 =	sadd.s32 $0x100, s17;
	v27 =	vsub.f32 v42, v43;
	v8 =	vsel vm4, v30, v8;
	v7 =	vsel vm4, v29, v7  }
0xe5: {  	v3 =	vmax.f32 v3, v10;
	v4 =	vsub.f32 v16, v19;
	v5 =	vsub.f32 v20, v21  }
0xe6: {  	v6 =	vsub.f32 v22, v23;
	v37 =	vmul.f32 v13, v12;
	v9 =	vmul.f32 v11, v9  }
0xe7: {  	v38 =	vmul.f32 v18, v17;
	v39 =	vmul.f32 v15, v14;
	v3 =	vsub.f32 v25, v3  }
0xe8: {  	v40 =	vmax.f32 v28, $0.0e+00;
	v41 =	vmax.f32 v24, $0.0e+00;
	v42 =	vmax.f32 v26, $0.0e+00  }
0xe9: {  	v43 =	vmax.f32 v27, $0.0e+00;
	v6 =	vmax.f32 v6, $0.0e+00;
	v3 =	vmax.f32 v3, $0.0e+00  }
0xea: {  	v45 =	vmul.f32 v42, v41;
	v44 =	vadd.f32 v38, v2;
	v3 =	vmul.f32 v3, v6  }
0xeb: {  	v4 =	vmax.f32 v4, $0.0e+00;
	v5 =	vmax.f32 v5, $0.0e+00;
	v9 =	vadd.f32 v9, v2  }
0xec: {  	v46 =	vadd.f32 v39, v2;
	v4 =	vmul.f32 v5, v4;
	v6 =	vsub.f32 v44, v3  }
0xed: {  	v47 =	vmul.f32 v43, v40;
	v9 =	vsub.f32 v9, v45  }
0xee: {  	v2 =	vadd.f32 v37, v2;
	v5 =	vsub.f32 v46, v4;
	v6 =	vmax.f32 v6, $9.999999710e-10  }
0xef: {  	v9 =	vmax.f32 v9, $9.999999710e-10;
	(erf) = vrcp.f32 v6  }
0xf0: {  	v2 =	vsub.f32 v2, v47;
	v5 =	vmax.f32 v5, $9.999999710e-10;
	(erf) = vrcp.f32 v9  }
0xf1: {  	(erf) = vrcp.f32 v5  }
0xf2: {  	v2 =	vmax.f32 v2, $9.999999710e-10  }
0xf3: {  	(erf) = vrcp.f32 v2;
	_ =	sdelay $0x4  }
0xf4: {  	s15 =	sadd.s32 $0x40, s15;
	v2 =	vpop (erf)  }
0xf5: {  	v48 =	vld [tilespmem:s14+$0x1400];
	s16 =	sadd.s32 $0x30, s15;
	s17 =	sadd.s32 $0x20, s15;
	v2 =	vmul.f32 v2, v3;
	v3 =	vpop (erf)  }
0xf6: {  	v49 =	vor.u32 s15, v0;
	v50 =	vor.u32 s16, v0;
	v51 =	vor.u32 s17, v0;
	v52 =	vpop (erf)  }
0xf7: {  	v54 =	vld [tilespmem:s14+$0x1410];
	s15 =	sadd.s32 $0x10, s15;
	vm4 =	veq.s32 v49, v1;
	v53 =	vsub.f32 $1.000000000e+00, v2;
	v4 =	vmul.f32 v52, v4  }
0xf8: {  	v55 =	vor.u32 s15, v0;
	v3 =	vmul.f32 v3, v45;
	v56 =	vpop (erf);
	vm5 =	vgt.f32 v2, $5.000000000e-01  }
0xf9: {  	v2 =	vld [tilespmem:s14+$0x1420];
	v11 =	vmul.f32 v56, v47;
	v57 =	vnsel vm5, $0x3F800000, v53;
	v58 =	vsub.f32 $1.000000000e+00, v4  }
0xfa: {  	vm7 =	vgt.f32 v3, $5.000000000e-01;
	vm6 =	vgt.f32 v4, $5.000000000e-01;
	v5 =	vmul.f32 v57, v48  }
0xfb: {  	v60 =	vld [tilespmem:s14+$0x1430];
	v3 =	vsub.f32 $1.000000000e+00, v3;
	v59 =	vsub.f32 $1.000000000e+00, v11;
	v14 =	vnsel vm6, $0x3F800000, v58  }
0xfc: {  	vm14 =	vgt.f32 v11, $5.000000000e-01;
	v5 =	vsel vm4, $0xCE6E6B28, v5;
	v61 =	vmul.f32 v14, v54  }
0xfd: {  	vm5 =	veq.s32 v55, v1;
	v4 =	vnsel vm14, $0x3F800000, v59;
	vm4 =	vgt.f32 v5, v8  }
0xfe: {  	s13 =	sadd.s32 $0x1, s13;
	v2 =	vmul.f32 v4, v2;
	v62 =	vsel vm4, v5, v8;
	v63 =	vsel vm5, $0xCE6E6B28, v61  }
0xff: {  	p0 =	sne.s32 s13, $0x64;
	v3 =	vnsel vm7, $0x3F800000, v3;
	vm5 =	veq.s32 v51, v1;
	vm15 =	vgt.f32 v63, v62  }
.Ltmp2:
0x100: {  	v3 =	vmul.f32 v3, v60;
	v2 =	vsel vm5, $0xCE6E6B28, v2;
	v4 =	vsel vm15, v63, v62;
	(pc) =	sbr.rel @p0 .LBB2_3-.Ltmp2, $4  }
0x101: {  	[tilespmem:s14+$0x1400] =	vst v5;
	vm5 =	veq.s32 v50, v1;
	v1 =	vsel vm4, v49, v7;
	vm4 =	vgt.f32 v2, v4  }
0x102: {  	[tilespmem:s14+$0x1410] =	vst v63;
	v1 =	vsel vm15, v55, v1;
	v3 =	vsel vm5, $0xCE6E6B28, v3;
	v4 =	vsel vm4, v2, v4  }
0x103: {  	[tilespmem:s14+$0x1420] =	vst v2;
	v2 =	vsel vm4, v51, v1;
	vm4 =	vgt.f32 v3, v4  }
0x104: {  	[tilespmem:s14+$0x1430] =	vst v3;
	v1 =	vsel vm4, v3, v4;
	v2 =	vsel vm4, v50, v2  }
0x105: {  	s1 =	sld [smem:$0x7FD];
	_ =	sdelay $0x2  }
0x106: {  	p0 =	seq.s32 s1, $0x1  }
0x107: {  	_ =	sfence.sel @p0 $0x180000  }
0x108: {  	[bflag:$0x0] =	sbarrier.arrive @p0 $0xFFFF  }
0x109: {  	_ =	strace @p0 $0x90000047  }
0x10a: {  	s1 =	simm.s32 @!p0 $0x0;
	s3 =	simm.s32 @!p0 $0x2180;
	[bflag:$0x2] =	sbarrier.arrive @p0 $0xFFFF  }
0x10b: {  	[hbm4b:s2+s1] =	stream.linear.scatter @!p0 [tilespmem:s3], [sflag:$0x1], $0x3200, $0x38;
	[tilespmem:$0x5580] =	vst v63  }
0x10c: {  	s1 =	simm.s32 @!p0 $0x1  }
0x10d: {  	_ =	swait.ge @!p0 [sflag:s1], $0x3200  }
0x10e: {  	[sflag:s1] =	ssyncset.done @!p0 $0x0  }
0x10f: {  	[sflag:s1] =	ssyncadd.s32 @!p0 $0xFFFFCE00  }
0x110: {  	_ =	sfence.sel @!p0 $0x180000  }
0x111: {  	[bflag:$0x0] =	sbarrier.arrive @!p0 $0xFFFF  }
0x112: {  	_ =	strace @!p0 $0x90000047  }
0x113: {  	s0 =	sadd.s32 @!p0 $0x100000, s0;
	[bflag:$0x2] =	sbarrier.arrive @!p0 $0xFFFF  }
0x114: {  	[sflag:s0] =	ssyncadd.tile.s32 @!p0 $0x1;
	_ =	shalt  }
.Lfunc_end2:
_tile_overlayer_lowered:
.L_overlay_start_2:
0x115: {  	(tag) =	ssettag $0x2  }
0x116: {  	s0 =	rddreg [dreg:$0x0];
	s2 =	stileid.u32  }
0x117: {  	s1 =	rddreg [dreg:$0x1];
	p0 =	sne.s32 s2, $0x0  }
0x118: {  	s3 =	rddreg [dreg:$0x2];
	[bflag:$0x3] =	sbarrier.arrive $0xFFFF;
	s2 =	simm.s32 @!p0 $0x1C01  }
0x119: {  	[timem:s3], [sflag:s2] =	dma.local @!p0 [hbm:s0], s1  }
0x11a: {  	s0 =	simm.s32 @!p0 $0x1  }
0x11b: {  	_ =	swait.ge @!p0 [sflag:s0], s1  }
0x11c: {  	s1 =	ssub.s32 @!p0 $0x0, s1;
	[sflag:s0] =	ssyncset.done @!p0 $0x0  }
0x11d: {  	[sflag:s0] =	ssyncadd.s32 @!p0 s1  }
0x11e: {  	[bflag:$0x3] =	sbarrier.arrive $0xFFFF  }
0x11f: {  	_ =	shalt  }

</sc_bundles>
